<compile_context>
chip_gen: v7x
topology: tpu7x:2x2x1
jax: 0.10.2.dev20260603
libtpu: 0.0.44.dev20260713+nightly
codegen_flags: <defaults>
</compile_context>

<pallas_src>
import functools

import jax
import jax.numpy as jnp
from jax import lax
from jax.experimental import pallas as pl
from jax.experimental.pallas import tpu as pltpu
from jax.experimental.pallas import tpu_sc as plsc

N = 16384
C = 1000
D = 128
CP = 1024

RB = 512
NBLK = N // RB

NT = 16
RW = N // NT
KCH = RW // 128
CSTR = CP // NT
FCHUNK = 256


def _argmax_body(x_ref, lab_ref, cnt_ref):
    x = x_ref[...]
    m = jnp.max(x, axis=0, keepdims=True)
    iota = lax.broadcasted_iota(jnp.int32, x.shape, 0)
    big = jnp.int32(2 ** 30)
    idx = jnp.min(jnp.where(x == m, iota, big), axis=0)
    lab_ref[...] = idx.reshape(1, 1, RB)

    iota_cp = lax.broadcasted_iota(jnp.int32, (CP, RB), 0)
    onehot_t = (iota_cp == idx[None, :]).astype(jnp.float32)
    ones16 = jnp.ones((RB, 16), jnp.float32)
    blkcnt = lax.dot_general(
        onehot_t, ones16, (((1,), (0,)), ((), ())),
        preferred_element_type=jnp.float32)

    @pl.when(pl.program_id(0) == 0)
    def _():
        cnt_ref[...] = jnp.zeros((CP, 16), jnp.float32)
    cnt_ref[...] += blkcnt


def _segment_loss_kernel():
    mesh = plsc.VectorSubcoreMesh(
        core_axis_name="c", subcore_axis_name="s", num_cores=1)

    @functools.partial(
        pl.kernel,
        out_type=[
            jax.ShapeDtypeStruct((16,), jnp.float32),
            jax.ShapeDtypeStruct((NT, 2, 16), jnp.float32),
        ],
        mesh=mesh,
        scratch_types=[
            pltpu.VMEM((KCH, 128), jnp.int32),
            pltpu.VMEM((FCHUNK, D), jnp.float32),
            pltpu.VMEM((CSTR, D), jnp.float32),
            pltpu.VMEM((CSTR, 16), jnp.float32),
            pltpu.VMEM((CSTR, D), jnp.float32),
            pltpu.VMEM((2, 16), jnp.float32),
            pltpu.VMEM((NT, 2, 16), jnp.float32),
            pltpu.VMEM((16,), jnp.float32),
            pltpu.VMEM_SHARED((CP, D), jnp.float32),
        ],
    )
    def seg(labels_hbm, feats_hbm, counts_hbm, text_hbm, out_hbm, parts_hbm,
            lab_v, feats_v, zbuf, cnt_v, t_v, pbuf, pv, obuf,
            sums_sh):
        sid = lax.axis_index("s")

        zf16 = jnp.zeros((16,), jnp.float32)

        def zrow(r, _):
            for j in range(D // 16):
                zbuf[r, pl.ds(j * 16, 16)] = zf16
            return 0
        lax.fori_loop(0, CSTR, zrow, 0)

        pltpu.sync_copy(zbuf, sums_sh.at[pl.ds(sid * CSTR, CSTR)])
        pltpu.sync_copy(labels_hbm.at[sid], lab_v)

        plsc.subcore_barrier()

        for t in range(RW // FCHUNK):
            pltpu.sync_copy(
                feats_hbm.at[pl.ds(sid * RW + t * FCHUNK, FCHUNK)], feats_v)
            for j in range(FCHUNK // 128):
                ch = t * (FCHUNK // 128) + j
                pltpu.sync_copy(feats_v.at[pl.ds(j * 128, 128)],
                                sums_sh.at[lab_v.at[ch]], add=True)

        plsc.subcore_barrier()

        pltpu.sync_copy(sums_sh.at[pl.ds(sid * CSTR, CSTR)], zbuf)
        pltpu.sync_copy(counts_hbm.at[pl.ds(sid * CSTR, CSTR)], cnt_v)
        pltpu.sync_copy(text_hbm.at[pl.ds(sid * CSTR, CSTR)], t_v)

        def cbody(c, carry):
            vt, nv = carry
            acc = jnp.zeros((16,), jnp.float32)
            for j in range(D // 16):
                acc = acc + zbuf[c, pl.ds(j * 16, 16)] * t_v[c, pl.ds(j * 16, 16)]
            cnt = cnt_v[c, :]
            mask = cnt > 0.0
            vt = vt + jnp.where(mask, acc / jnp.maximum(cnt, 1.0), 0.0)
            nv = nv + jnp.where(mask, 1.0, 0.0)
            return vt, nv

        vt, nv = lax.fori_loop(
            0, CSTR, cbody,
            (jnp.zeros((16,), jnp.float32), jnp.zeros((16,), jnp.float32)))

        pbuf[0, :] = vt
        pbuf[1, :] = nv
        pltpu.sync_copy(pbuf, parts_hbm.at[sid])

        plsc.subcore_barrier()

        @pl.when(sid == 0)
        def _():
            pltpu.sync_copy(parts_hbm, pv)
            lsum = jnp.zeros((16,), jnp.float32)
            nsum = jnp.zeros((16,), jnp.float32)
            for i in range(NT):
                lsum = lsum + pv[i, 0, :]
                nsum = nsum + pv[i, 1, :]
            num = jnp.float32(0.0)
            den = jnp.float32(0.0)
            for i in range(16):
                num = num + lsum[i]
                den = den + nsum[i]
            numv = jnp.full((16,), num, jnp.float32)
            denv = jnp.full((16,), den, jnp.float32) / 16.0
            obuf[:] = numv / denv
            pltpu.sync_copy(obuf, out_hbm)

    return seg


def kernel(logits, img_feats, text_norm_feats):
    labels3, counts = pl.pallas_call(
        _argmax_body,
        grid=(NBLK,),
        in_specs=[pl.BlockSpec((C, RB), lambda i: (0, i))],
        out_specs=[
            pl.BlockSpec((1, 1, RB), lambda i: (i, 0, 0)),
            pl.BlockSpec((CP, 16), lambda i: (0, 0)),
        ],
        out_shape=[
            jax.ShapeDtypeStruct((NBLK, 1, RB), jnp.int32),
            jax.ShapeDtypeStruct((CP, 16), jnp.float32),
        ],
    )(logits.T)

    labels = labels3.reshape(NT, KCH, 128)

    text_pad = jnp.zeros((CP, D), jnp.float32).at[:C].set(text_norm_feats)

    out, _ = _segment_loss_kernel()(labels, img_feats, counts, text_pad)
    return out[0]

# --- scband reference (transcript-rebuilt; emitter-appended) ---
"""Pipeline reference for scband-i2-tloss-27341761806531 (READ-ONLY COPY).

The authoritative reference and input builder live on the scoring server;
editing this copy changes nothing except your own understanding.
"""

import jax, jax.numpy as jnp
import numpy as np


def setup_inputs(seed: int = 0) -> dict:
    key = jax.random.key(seed)
    k1, k2, k3 = jax.random.split(key, 3)
    logits = jax.random.normal(k1, (16384, 1000), dtype=jnp.float32)
    img_feats = jax.random.normal(k2, (16384, 128), dtype=jnp.float32)
    text = jax.random.normal(k3, (1000, 128), dtype=jnp.float32)
    text_norm_feats = text / jnp.linalg.norm(text, axis=1, keepdims=True)
    return {"logits": logits, "img_feats": img_feats, "text_norm_feats": text_norm_feats}


def reference(logits, img_feats, text_norm_feats):
    # labels = argmax(softmax(logits), dim=1)
    C = text_norm_feats.shape[0]
    labels = jnp.argmax(jax.nn.softmax(logits, axis=1), axis=1)
    # For each unique label l: mean of img_feats[labels==l], dotted with text_norm_feats[l].
    # Vectorized via segment-sum over all C classes; classes with zero count are excluded
    # exactly as in the torch loop over torch.unique(labels).
    sums = jax.ops.segment_sum(img_feats, labels, num_segments=C)  # [C, D]
    counts = jnp.bincount(labels, length=C)                        # [C]
    present = counts > 0
    means = sums / jnp.maximum(counts, 1)[:, None].astype(img_feats.dtype)
    means = means.astype(text_norm_feats.dtype)
    # dist per class l: (means[l] . text_norm_feats[l])  (matmul of [1,D] @ [D,1], then .mean() of scalar)
    dots = jnp.sum(means * text_norm_feats, axis=1)                # [C]
    n_unique = jnp.sum(present)
    loss = jnp.sum(jnp.where(present, dots, 0.0)) / n_unique.astype(dots.dtype)
    return loss

if __name__ == "__main__":
    import jax
    _d = setup_inputs()
    print(jax.jit(kernel)(*tuple(_d.values())))

</pallas_src>

<mosaic_0001>
#map = affine_map<(d0, d1) -> (0, 0, 0)>
#map1 = affine_map<(d0, d1) -> (0, 0)>
#map2 = affine_map<(d0, d1) -> (0)>
module attributes {stable_mosaic.version = 14 : i64} {
  func.func @seg(%arg0: i32, %arg1: i32, %arg2: memref<16x8x128xi32, #tpu.memory_space<hbm>>, %arg3: memref<16384x128xf32, #tpu.memory_space<hbm>>, %arg4: memref<1024x16xf32, #tpu.memory_space<hbm>>, %arg5: memref<1024x128xf32, #tpu.memory_space<hbm>>, %arg6: memref<16xf32, #tpu.memory_space<hbm>>, %arg7: memref<16x2x16xf32, #tpu.memory_space<hbm>>, %arg8: memref<8x128xi32, #tpu.memory_space<vmem>>, %arg9: memref<256x128xf32, #tpu.memory_space<vmem>>, %arg10: memref<64x128xf32, #tpu.memory_space<vmem>>, %arg11: memref<64x16xf32, #tpu.memory_space<vmem>>, %arg12: memref<64x128xf32, #tpu.memory_space<vmem>>, %arg13: memref<2x16xf32, #tpu.memory_space<vmem>>, %arg14: memref<16x2x16xf32, #tpu.memory_space<vmem>>, %arg15: memref<16xf32, #tpu.memory_space<vmem>>, %arg16: memref<1024x128xf32, #tpu.memory_space<vmem_shared>>) attributes {dimension_semantics = [#tpu.dimension_semantics<core_parallel>, #tpu.dimension_semantics<subcore_parallel>], iteration_bounds = array<i64: 1, 16>, scalar_prefetch = 0 : i64, scratch_operands = 9 : i64, tpu.core_type = #tpu.core_type<sc_vector_subcore>, window_params = [{transform_indices = #map}, {transform_indices = #map1}, {transform_indices = #map1}, {transform_indices = #map1}, {transform_indices = #map2}, {transform_indices = #map}]} {
    %broadcast_in_dim3A = arith.constant 0.000000e+00 : f32
    %broadcast_in_dim3A_0 = vector.broadcast %broadcast_in_dim3A : f32 to vector<16xf32>
    %scan3A = arith.constant 0 : i32
    %scan3A_1 = arith.constant 0 : i32
    %scan3A_2 = arith.constant 64 : i32
    %scan3A_3 = arith.addi %scan3A_1, %scan3A_2 : i32
    %scan3A_4 = arith.constant 1 : i32
    %scan3A_5 = scf.for %scan3A_61 = %scan3A_1 to %scan3A_3 step %scan3A_4 iter_args(%scan3A_62 = %scan3A) -> (i32)  : i32 {
      %swap3A_63 = arith.index_cast %scan3A_61 : i32 to index
      %swap3A_64 = arith.constant 0 : index
      %swap3A_65 = tpu.vector_load %arg10[%swap3A_63, %swap3A_64] {strides = array<i32>} : memref<64x128xf32, #tpu.memory_space<vmem>>, vector<1x16xf32>,
      %swap3A_66 = vector.shape_cast %swap3A_65 : vector<1x16xf32> to vector<16xf32>
      %swap3A_67 = vector.shape_cast %broadcast_in_dim3A_0 : vector<16xf32> to vector<1x16xf32>
      tpu.vector_store %arg10[%swap3A_63, %swap3A_64], %swap3A_67 {strides = array<i32>} : memref<64x128xf32, #tpu.memory_space<vmem>>, vector<1x16xf32>,
      %swap3A_68 = arith.index_cast %scan3A_61 : i32 to index
      %swap3A_69 = arith.constant 16 : index
      %swap3A_70 = tpu.vector_load %arg10[%swap3A_68, %swap3A_69] {strides = array<i32>} : memref<64x128xf32, #tpu.memory_space<vmem>>, vector<1x16xf32>,
      %swap3A_71 = vector.shape_cast %swap3A_70 : vector<1x16xf32> to vector<16xf32>
      %swap3A_72 = vector.shape_cast %broadcast_in_dim3A_0 : vector<16xf32> to vector<1x16xf32>
      tpu.vector_store %arg10[%swap3A_68, %swap3A_69], %swap3A_72 {strides = array<i32>} : memref<64x128xf32, #tpu.memory_space<vmem>>, vector<1x16xf32>,
      %swap3A_73 = arith.index_cast %scan3A_61 : i32 to index
      %swap3A_74 = arith.constant 32 : index
      %swap3A_75 = tpu.vector_load %arg10[%swap3A_73, %swap3A_74] {strides = array<i32>} : memref<64x128xf32, #tpu.memory_space<vmem>>, vector<1x16xf32>,
      %swap3A_76 = vector.shape_cast %swap3A_75 : vector<1x16xf32> to vector<16xf32>
      %swap3A_77 = vector.shape_cast %broadcast_in_dim3A_0 : vector<16xf32> to vector<1x16xf32>
      tpu.vector_store %arg10[%swap3A_73, %swap3A_74], %swap3A_77 {strides = array<i32>} : memref<64x128xf32, #tpu.memory_space<vmem>>, vector<1x16xf32>,
      %swap3A_78 = arith.index_cast %scan3A_61 : i32 to index
      %swap3A_79 = arith.constant 48 : index
      %swap3A_80 = tpu.vector_load %arg10[%swap3A_78, %swap3A_79] {strides = array<i32>} : memref<64x128xf32, #tpu.memory_space<vmem>>, vector<1x16xf32>,
      %swap3A_81 = vector.shape_cast %swap3A_80 : vector<1x16xf32> to vector<16xf32>
      %swap3A_82 = vector.shape_cast %broadcast_in_dim3A_0 : vector<16xf32> to vector<1x16xf32>
      tpu.vector_store %arg10[%swap3A_78, %swap3A_79], %swap3A_82 {strides = array<i32>} : memref<64x128xf32, #tpu.memory_space<vmem>>, vector<1x16xf32>,
      %swap3A_83 = arith.index_cast %scan3A_61 : i32 to index
      %swap3A_84 = arith.constant 64 : index
      %swap3A_85 = tpu.vector_load %arg10[%swap3A_83, %swap3A_84] {strides = array<i32>} : memref<64x128xf32, #tpu.memory_space<vmem>>, vector<1x16xf32>,
      %swap3A_86 = vector.shape_cast %swap3A_85 : vector<1x16xf32> to vector<16xf32>
      %swap3A_87 = vector.shape_cast %broadcast_in_dim3A_0 : vector<16xf32> to vector<1x16xf32>
      tpu.vector_store %arg10[%swap3A_83, %swap3A_84], %swap3A_87 {strides = array<i32>} : memref<64x128xf32, #tpu.memory_space<vmem>>, vector<1x16xf32>,
      %swap3A_88 = arith.index_cast %scan3A_61 : i32 to index
      %swap3A_89 = arith.constant 80 : index
      %swap3A_90 = tpu.vector_load %arg10[%swap3A_88, %swap3A_89] {strides = array<i32>} : memref<64x128xf32, #tpu.memory_space<vmem>>, vector<1x16xf32>,
      %swap3A_91 = vector.shape_cast %swap3A_90 : vector<1x16xf32> to vector<16xf32>
      %swap3A_92 = vector.shape_cast %broadcast_in_dim3A_0 : vector<16xf32> to vector<1x16xf32>
      tpu.vector_store %arg10[%swap3A_88, %swap3A_89], %swap3A_92 {strides = array<i32>} : memref<64x128xf32, #tpu.memory_space<vmem>>, vector<1x16xf32>,
      %swap3A_93 = arith.index_cast %scan3A_61 : i32 to index
      %swap3A_94 = arith.constant 96 : index
      %swap3A_95 = tpu.vector_load %arg10[%swap3A_93, %swap3A_94] {strides = array<i32>} : memref<64x128xf32, #tpu.memory_space<vmem>>, vector<1x16xf32>,
      %swap3A_96 = vector.shape_cast %swap3A_95 : vector<1x16xf32> to vector<16xf32>
      %swap3A_97 = vector.shape_cast %broadcast_in_dim3A_0 : vector<16xf32> to vector<1x16xf32>
      tpu.vector_store %arg10[%swap3A_93, %swap3A_94], %swap3A_97 {strides = array<i32>} : memref<64x128xf32, #tpu.memory_space<vmem>>, vector<1x16xf32>,
      %swap3A_98 = arith.index_cast %scan3A_61 : i32 to index
      %swap3A_99 = arith.constant 112 : index
      %swap3A_100 = tpu.vector_load %arg10[%swap3A_98, %swap3A_99] {strides = array<i32>} : memref<64x128xf32, #tpu.memory_space<vmem>>, vector<1x16xf32>,
      %swap3A_101 = vector.shape_cast %swap3A_100 : vector<1x16xf32> to vector<16xf32>
      %swap3A_102 = vector.shape_cast %broadcast_in_dim3A_0 : vector<16xf32> to vector<1x16xf32>
      tpu.vector_store %arg10[%swap3A_98, %swap3A_99], %swap3A_102 {strides = array<i32>} : memref<64x128xf32, #tpu.memory_space<vmem>>, vector<1x16xf32>,
      %scan3A_103 = arith.constant 0 : i32
      scf.yield %scan3A_103 : i32
    }
    %scan3A_6 = arith.constant 64 : i32
    %mul3A = arith.constant 64 : i32
    %mul3A_7 = arith.muli %arg1, %mul3A : i32
    "tpu.region"() ({
      %run_scoped3A_61 = tpu.sem_alloc : memref<!tpu.dma_semaphore, #tpu.memory_space<semaphore_mem>>
      %dma_start3A = arith.constant 0 : i32
      %dma_start3A_62 = tpu.memref_slice %arg16[%mul3A_7, %dma_start3A] : memref<1024x128xf32, #tpu.memory_space<vmem_shared>> -> memref<64x128xf32, #tpu.memory_space<vmem_shared>>
      %dma_start3A_63 = arith.constant 0 : i32
      %dma_start3A_64 = tpu.memref_slice %arg16[%mul3A_7, %dma_start3A_63] : memref<1024x128xf32, #tpu.memory_space<vmem_shared>> -> memref<64x128xf32, #tpu.memory_space<vmem_shared>>
      tpu.enqueue_dma source(%arg10 : memref<64x128xf32, #tpu.memory_space<vmem>>) target(%dma_start3A_64 : memref<64x128xf32, #tpu.memory_space<vmem_shared>>) target_semaphore(%run_scoped3A_61 : memref<!tpu.dma_semaphore, #tpu.memory_space<semaphore_mem>>)
      %dma_wait3A = arith.constant 0 : i32
      %dma_wait3A_65 = tpu.memref_slice %arg16[%mul3A_7, %dma_wait3A] : memref<1024x128xf32, #tpu.memory_space<vmem_shared>> -> memref<64x128xf32, #tpu.memory_space<vmem_shared>>
      %dma_wait3A_66 = arith.constant 0 : i32
      %dma_wait3A_67 = tpu.memref_slice %arg16[%mul3A_7, %dma_wait3A_66] : memref<1024x128xf32, #tpu.memory_space<vmem_shared>> -> memref<64x128xf32, #tpu.memory_space<vmem_shared>>
      tpu.wait_dma2 semaphore(%run_scoped3A_61 : memref<!tpu.dma_semaphore, #tpu.memory_space<semaphore_mem>>) src(%arg10 : memref<64x128xf32, #tpu.memory_space<vmem>>) dst(%dma_wait3A_67 : memref<64x128xf32, #tpu.memory_space<vmem_shared>>)
      tpu.yield
    }) : () -> ()
    "tpu.region"() ({
      %run_scoped3A_61 = tpu.sem_alloc : memref<!tpu.dma_semaphore, #tpu.memory_space<semaphore_mem>>
      %dma_start3A = arith.constant 0 : i32
      %dma_start3A_62 = arith.constant 0 : i32
      %dma_start3A_63 = tpu.memref_slice %arg2[%arg1, %dma_start3A, %dma_start3A_62] : memref<16x8x128xi32, #tpu.memory_space<hbm>> -> memref<1x8x128xi32, #tpu.memory_space<hbm>>
      %dma_start3A_64 = tpu.memref_squeeze %dma_start3A_63 : memref<1x8x128xi32, #tpu.memory_space<hbm>> -> memref<8x128xi32, #tpu.memory_space<hbm>>
      %dma_start3A_65 = arith.constant 0 : i32
      %dma_start3A_66 = arith.constant 0 : i32
      %dma_start3A_67 = tpu.memref_slice %arg2[%arg1, %dma_start3A_65, %dma_start3A_66] : memref<16x8x128xi32, #tpu.memory_space<hbm>> -> memref<1x8x128xi32, #tpu.memory_space<hbm>>
      %dma_start3A_68 = tpu.memref_squeeze %dma_start3A_67 : memref<1x8x128xi32, #tpu.memory_space<hbm>> -> memref<8x128xi32, #tpu.memory_space<hbm>>
      tpu.enqueue_dma source(%dma_start3A_68 : memref<8x128xi32, #tpu.memory_space<hbm>>) target(%arg8 : memref<8x128xi32, #tpu.memory_space<vmem>>) target_semaphore(%run_scoped3A_61 : memref<!tpu.dma_semaphore, #tpu.memory_space<semaphore_mem>>)
      %dma_wait3A = arith.constant 0 : i32
      %dma_wait3A_69 = arith.constant 0 : i32
      %dma_wait3A_70 = tpu.memref_slice %arg2[%arg1, %dma_wait3A, %dma_wait3A_69] : memref<16x8x128xi32, #tpu.memory_space<hbm>> -> memref<1x8x128xi32, #tpu.memory_space<hbm>>
      %dma_wait3A_71 = tpu.memref_squeeze %dma_wait3A_70 : memref<1x8x128xi32, #tpu.memory_space<hbm>> -> memref<8x128xi32, #tpu.memory_space<hbm>>
      %dma_wait3A_72 = arith.constant 0 : i32
      %dma_wait3A_73 = arith.constant 0 : i32
      %dma_wait3A_74 = tpu.memref_slice %arg2[%arg1, %dma_wait3A_72, %dma_wait3A_73] : memref<16x8x128xi32, #tpu.memory_space<hbm>> -> memref<1x8x128xi32, #tpu.memory_space<hbm>>
      %dma_wait3A_75 = tpu.memref_squeeze %dma_wait3A_74 : memref<1x8x128xi32, #tpu.memory_space<hbm>> -> memref<8x128xi32, #tpu.memory_space<hbm>>
      tpu.wait_dma2 semaphore(%run_scoped3A_61 : memref<!tpu.dma_semaphore, #tpu.memory_space<semaphore_mem>>) src(%dma_wait3A_75 : memref<8x128xi32, #tpu.memory_space<hbm>>) dst(%arg8 : memref<8x128xi32, #tpu.memory_space<vmem>>)
      tpu.yield
    }) : () -> ()
    %barrier3A = arith.constant 0 : index
    tpu.barrier barrier_id(%barrier3A)
    %mul3A_8 = arith.constant 1024 : i32
    %mul3A_9 = arith.muli %arg1, %mul3A_8 : i32
    %add3A = arith.constant 0 : i32
    %add3A_10 = arith.addi %mul3A_9, %add3A : i32
    "tpu.region"() ({
      %run_scoped3A_61 = tpu.sem_alloc : memref<!tpu.dma_semaphore, #tpu.memory_space<semaphore_mem>>
      %dma_start3A = arith.constant 0 : i32
      %dma_start3A_62 = tpu.memref_slice %arg3[%add3A_10, %dma_start3A] : memref<16384x128xf32, #tpu.memory_space<hbm>> -> memref<256x128xf32, #tpu.memory_space<hbm>>
      %dma_start3A_63 = arith.constant 0 : i32
      %dma_start3A_64 = tpu.memref_slice %arg3[%add3A_10, %dma_start3A_63] : memref<16384x128xf32, #tpu.memory_space<hbm>> -> memref<256x128xf32, #tpu.memory_space<hbm>>
      tpu.enqueue_dma source(%dma_start3A_64 : memref<256x128xf32, #tpu.memory_space<hbm>>) target(%arg9 : memref<256x128xf32, #tpu.memory_space<vmem>>) target_semaphore(%run_scoped3A_61 : memref<!tpu.dma_semaphore, #tpu.memory_space<semaphore_mem>>)
      %dma_wait3A = arith.constant 0 : i32
      %dma_wait3A_65 = tpu.memref_slice %arg3[%add3A_10, %dma_wait3A] : memref<16384x128xf32, #tpu.memory_space<hbm>> -> memref<256x128xf32, #tpu.memory_space<hbm>>
      %dma_wait3A_66 = arith.constant 0 : i32
      %dma_wait3A_67 = tpu.memref_slice %arg3[%add3A_10, %dma_wait3A_66] : memref<16384x128xf32, #tpu.memory_space<hbm>> -> memref<256x128xf32, #tpu.memory_space<hbm>>
      tpu.wait_dma2 semaphore(%run_scoped3A_61 : memref<!tpu.dma_semaphore, #tpu.memory_space<semaphore_mem>>) src(%dma_wait3A_67 : memref<256x128xf32, #tpu.memory_space<hbm>>) dst(%arg9 : memref<256x128xf32, #tpu.memory_space<vmem>>)
      tpu.yield
    }) : () -> ()
    %run_scoped3A = arith.constant 0 : i32
    "tpu.region"() ({
      %run_scoped3A_61 = tpu.sem_alloc : memref<!tpu.dma_semaphore, #tpu.memory_space<semaphore_mem>>
      %dma_start3A = arith.constant 0 : i32
      %dma_start3A_62 = arith.constant 0 : i32
      %dma_start3A_63 = tpu.memref_slice %arg9[%dma_start3A, %dma_start3A_62] : memref<256x128xf32, #tpu.memory_space<vmem>> -> memref<128x128xf32, #tpu.memory_space<vmem>>
      %dma_start3A_64 = arith.constant 0 : i32
      %dma_start3A_65 = tpu.memref_slice %arg8[%run_scoped3A, %dma_start3A_64] : memref<8x128xi32, #tpu.memory_space<vmem>> -> memref<1x128xi32, #tpu.memory_space<vmem>>
      %dma_start3A_66 = tpu.memref_squeeze %dma_start3A_65 : memref<1x128xi32, #tpu.memory_space<vmem>> -> memref<128xi32, #tpu.memory_space<vmem>>
      %dma_start3A_67 = arith.constant 0 : i32
      %dma_start3A_68 = arith.constant 0 : i32
      %dma_start3A_69 = tpu.memref_slice %arg16[%dma_start3A_67, %dma_start3A_68] : memref<1024x128xf32, #tpu.memory_space<vmem_shared>> -> memref<1024x128xf32, #tpu.memory_space<vmem_shared>>
      tpu.enqueue_indirect_dma source(%dma_start3A_63 : memref<128x128xf32, #tpu.memory_space<vmem>>) target(%dma_start3A_69 : memref<1024x128xf32, #tpu.memory_space<vmem_shared>>) offsets(%dma_start3A_66 : memref<128xi32, #tpu.memory_space<vmem>>) semaphore(%run_scoped3A_61 : memref<!tpu.dma_semaphore, #tpu.memory_space<semaphore_mem>>) {add = true}
      %dma_wait3A = arith.constant 0 : i32
      %dma_wait3A_70 = arith.constant 0 : i32
      %dma_wait3A_71 = tpu.memref_slice %arg9[%dma_wait3A, %dma_wait3A_70] : memref<256x128xf32, #tpu.memory_space<vmem>> -> memref<128x128xf32, #tpu.memory_space<vmem>>
      %dma_wait3A_72 = arith.constant 0 : i32
      %dma_wait3A_73 = tpu.memref_slice %arg8[%run_scoped3A, %dma_wait3A_72] : memref<8x128xi32, #tpu.memory_space<vmem>> -> memref<1x128xi32, #tpu.memory_space<vmem>>
      %dma_wait3A_74 = tpu.memref_squeeze %dma_wait3A_73 : memref<1x128xi32, #tpu.memory_space<vmem>> -> memref<128xi32, #tpu.memory_space<vmem>>
      %dma_wait3A_75 = arith.constant 0 : i32
      %dma_wait3A_76 = arith.constant 0 : i32
      %dma_wait3A_77 = tpu.memref_slice %arg16[%dma_wait3A_75, %dma_wait3A_76] : memref<1024x128xf32, #tpu.memory_space<vmem_shared>> -> memref<1024x128xf32, #tpu.memory_space<vmem_shared>>
      tpu.wait_indirect_dma semaphore(%run_scoped3A_61 : memref<!tpu.dma_semaphore, #tpu.memory_space<semaphore_mem>>) src(%dma_wait3A_71 : memref<128x128xf32, #tpu.memory_space<vmem>>) dst(%dma_wait3A_77 : memref<1024x128xf32, #tpu.memory_space<vmem_shared>>)
      tpu.yield
    }) : () -> ()
    %run_scoped3A_11 = arith.constant 1 : i32
    "tpu.region"() ({
      %run_scoped3A_61 = tpu.sem_alloc : memref<!tpu.dma_semaphore, #tpu.memory_space<semaphore_mem>>
      %dma_start3A = arith.constant 128 : i32
      %dma_start3A_62 = arith.constant 0 : i32
      %dma_start3A_63 = tpu.memref_slice %arg9[%dma_start3A, %dma_start3A_62] : memref<256x128xf32, #tpu.memory_space<vmem>> -> memref<128x128xf32, #tpu.memory_space<vmem>>
      %dma_start3A_64 = arith.constant 0 : i32
      %dma_start3A_65 = tpu.memref_slice %arg8[%run_scoped3A_11, %dma_start3A_64] : memref<8x128xi32, #tpu.memory_space<vmem>> -> memref<1x128xi32, #tpu.memory_space<vmem>>
      %dma_start3A_66 = tpu.memref_squeeze %dma_start3A_65 : memref<1x128xi32, #tpu.memory_space<vmem>> -> memref<128xi32, #tpu.memory_space<vmem>>
      %dma_start3A_67 = arith.constant 0 : i32
      %dma_start3A_68 = arith.constant 0 : i32
      %dma_start3A_69 = tpu.memref_slice %arg16[%dma_start3A_67, %dma_start3A_68] : memref<1024x128xf32, #tpu.memory_space<vmem_shared>> -> memref<1024x128xf32, #tpu.memory_space<vmem_shared>>
      tpu.enqueue_indirect_dma source(%dma_start3A_63 : memref<128x128xf32, #tpu.memory_space<vmem>>) target(%dma_start3A_69 : memref<1024x128xf32, #tpu.memory_space<vmem_shared>>) offsets(%dma_start3A_66 : memref<128xi32, #tpu.memory_space<vmem>>) semaphore(%run_scoped3A_61 : memref<!tpu.dma_semaphore, #tpu.memory_space<semaphore_mem>>) {add = true}
      %dma_wait3A = arith.constant 128 : i32
      %dma_wait3A_70 = arith.constant 0 : i32
      %dma_wait3A_71 = tpu.memref_slice %arg9[%dma_wait3A, %dma_wait3A_70] : memref<256x128xf32, #tpu.memory_space<vmem>> -> memref<128x128xf32, #tpu.memory_space<vmem>>
      %dma_wait3A_72 = arith.constant 0 : i32
      %dma_wait3A_73 = tpu.memref_slice %arg8[%run_scoped3A_11, %dma_wait3A_72] : memref<8x128xi32, #tpu.memory_space<vmem>> -> memref<1x128xi32, #tpu.memory_space<vmem>>
      %dma_wait3A_74 = tpu.memref_squeeze %dma_wait3A_73 : memref<1x128xi32, #tpu.memory_space<vmem>> -> memref<128xi32, #tpu.memory_space<vmem>>
      %dma_wait3A_75 = arith.constant 0 : i32
      %dma_wait3A_76 = arith.constant 0 : i32
      %dma_wait3A_77 = tpu.memref_slice %arg16[%dma_wait3A_75, %dma_wait3A_76] : memref<1024x128xf32, #tpu.memory_space<vmem_shared>> -> memref<1024x128xf32, #tpu.memory_space<vmem_shared>>
      tpu.wait_indirect_dma semaphore(%run_scoped3A_61 : memref<!tpu.dma_semaphore, #tpu.memory_space<semaphore_mem>>) src(%dma_wait3A_71 : memref<128x128xf32, #tpu.memory_space<vmem>>) dst(%dma_wait3A_77 : memref<1024x128xf32, #tpu.memory_space<vmem_shared>>)
      tpu.yield
    }) : () -> ()
    %mul3A_12 = arith.constant 1024 : i32
    %mul3A_13 = arith.muli %arg1, %mul3A_12 : i32
    %add3A_14 = arith.constant 256 : i32
    %add3A_15 = arith.addi %mul3A_13, %add3A_14 : i32
    "tpu.region"() ({
      %run_scoped3A_61 = tpu.sem_alloc : memref<!tpu.dma_semaphore, #tpu.memory_space<semaphore_mem>>
      %dma_start3A = arith.constant 0 : i32
      %dma_start3A_62 = tpu.memref_slice %arg3[%add3A_15, %dma_start3A] : memref<16384x128xf32, #tpu.memory_space<hbm>> -> memref<256x128xf32, #tpu.memory_space<hbm>>
      %dma_start3A_63 = arith.constant 0 : i32
      %dma_start3A_64 = tpu.memref_slice %arg3[%add3A_15, %dma_start3A_63] : memref<16384x128xf32, #tpu.memory_space<hbm>> -> memref<256x128xf32, #tpu.memory_space<hbm>>
      tpu.enqueue_dma source(%dma_start3A_64 : memref<256x128xf32, #tpu.memory_space<hbm>>) target(%arg9 : memref<256x128xf32, #tpu.memory_space<vmem>>) target_semaphore(%run_scoped3A_61 : memref<!tpu.dma_semaphore, #tpu.memory_space<semaphore_mem>>)
      %dma_wait3A = arith.constant 0 : i32
      %dma_wait3A_65 = tpu.memref_slice %arg3[%add3A_15, %dma_wait3A] : memref<16384x128xf32, #tpu.memory_space<hbm>> -> memref<256x128xf32, #tpu.memory_space<hbm>>
      %dma_wait3A_66 = arith.constant 0 : i32
      %dma_wait3A_67 = tpu.memref_slice %arg3[%add3A_15, %dma_wait3A_66] : memref<16384x128xf32, #tpu.memory_space<hbm>> -> memref<256x128xf32, #tpu.memory_space<hbm>>
      tpu.wait_dma2 semaphore(%run_scoped3A_61 : memref<!tpu.dma_semaphore, #tpu.memory_space<semaphore_mem>>) src(%dma_wait3A_67 : memref<256x128xf32, #tpu.memory_space<hbm>>) dst(%arg9 : memref<256x128xf32, #tpu.memory_space<vmem>>)
      tpu.yield
    }) : () -> ()
    %run_scoped3A_16 = arith.constant 2 : i32
    "tpu.region"() ({
      %run_scoped3A_61 = tpu.sem_alloc : memref<!tpu.dma_semaphore, #tpu.memory_space<semaphore_mem>>
      %dma_start3A = arith.constant 0 : i32
      %dma_start3A_62 = arith.constant 0 : i32
      %dma_start3A_63 = tpu.memref_slice %arg9[%dma_start3A, %dma_start3A_62] : memref<256x128xf32, #tpu.memory_space<vmem>> -> memref<128x128xf32, #tpu.memory_space<vmem>>
      %dma_start3A_64 = arith.constant 0 : i32
      %dma_start3A_65 = tpu.memref_slice %arg8[%run_scoped3A_16, %dma_start3A_64] : memref<8x128xi32, #tpu.memory_space<vmem>> -> memref<1x128xi32, #tpu.memory_space<vmem>>
      %dma_start3A_66 = tpu.memref_squeeze %dma_start3A_65 : memref<1x128xi32, #tpu.memory_space<vmem>> -> memref<128xi32, #tpu.memory_space<vmem>>
      %dma_start3A_67 = arith.constant 0 : i32
      %dma_start3A_68 = arith.constant 0 : i32
      %dma_start3A_69 = tpu.memref_slice %arg16[%dma_start3A_67, %dma_start3A_68] : memref<1024x128xf32, #tpu.memory_space<vmem_shared>> -> memref<1024x128xf32, #tpu.memory_space<vmem_shared>>
      tpu.enqueue_indirect_dma source(%dma_start3A_63 : memref<128x128xf32, #tpu.memory_space<vmem>>) target(%dma_start3A_69 : memref<1024x128xf32, #tpu.memory_space<vmem_shared>>) offsets(%dma_start3A_66 : memref<128xi32, #tpu.memory_space<vmem>>) semaphore(%run_scoped3A_61 : memref<!tpu.dma_semaphore, #tpu.memory_space<semaphore_mem>>) {add = true}
      %dma_wait3A = arith.constant 0 : i32
      %dma_wait3A_70 = arith.constant 0 : i32
      %dma_wait3A_71 = tpu.memref_slice %arg9[%dma_wait3A, %dma_wait3A_70] : memref<256x128xf32, #tpu.memory_space<vmem>> -> memref<128x128xf32, #tpu.memory_space<vmem>>
      %dma_wait3A_72 = arith.constant 0 : i32
      %dma_wait3A_73 = tpu.memref_slice %arg8[%run_scoped3A_16, %dma_wait3A_72] : memref<8x128xi32, #tpu.memory_space<vmem>> -> memref<1x128xi32, #tpu.memory_space<vmem>>
      %dma_wait3A_74 = tpu.memref_squeeze %dma_wait3A_73 : memref<1x128xi32, #tpu.memory_space<vmem>> -> memref<128xi32, #tpu.memory_space<vmem>>
      %dma_wait3A_75 = arith.constant 0 : i32
      %dma_wait3A_76 = arith.constant 0 : i32
      %dma_wait3A_77 = tpu.memref_slice %arg16[%dma_wait3A_75, %dma_wait3A_76] : memref<1024x128xf32, #tpu.memory_space<vmem_shared>> -> memref<1024x128xf32, #tpu.memory_space<vmem_shared>>
      tpu.wait_indirect_dma semaphore(%run_scoped3A_61 : memref<!tpu.dma_semaphore, #tpu.memory_space<semaphore_mem>>) src(%dma_wait3A_71 : memref<128x128xf32, #tpu.memory_space<vmem>>) dst(%dma_wait3A_77 : memref<1024x128xf32, #tpu.memory_space<vmem_shared>>)
      tpu.yield
    }) : () -> ()
    %run_scoped3A_17 = arith.constant 3 : i32
    "tpu.region"() ({
      %run_scoped3A_61 = tpu.sem_alloc : memref<!tpu.dma_semaphore, #tpu.memory_space<semaphore_mem>>
      %dma_start3A = arith.constant 128 : i32
      %dma_start3A_62 = arith.constant 0 : i32
      %dma_start3A_63 = tpu.memref_slice %arg9[%dma_start3A, %dma_start3A_62] : memref<256x128xf32, #tpu.memory_space<vmem>> -> memref<128x128xf32, #tpu.memory_space<vmem>>
      %dma_start3A_64 = arith.constant 0 : i32
      %dma_start3A_65 = tpu.memref_slice %arg8[%run_scoped3A_17, %dma_start3A_64] : memref<8x128xi32, #tpu.memory_space<vmem>> -> memref<1x128xi32, #tpu.memory_space<vmem>>
      %dma_start3A_66 = tpu.memref_squeeze %dma_start3A_65 : memref<1x128xi32, #tpu.memory_space<vmem>> -> memref<128xi32, #tpu.memory_space<vmem>>
      %dma_start3A_67 = arith.constant 0 : i32
      %dma_start3A_68 = arith.constant 0 : i32
      %dma_start3A_69 = tpu.memref_slice %arg16[%dma_start3A_67, %dma_start3A_68] : memref<1024x128xf32, #tpu.memory_space<vmem_shared>> -> memref<1024x128xf32, #tpu.memory_space<vmem_shared>>
      tpu.enqueue_indirect_dma source(%dma_start3A_63 : memref<128x128xf32, #tpu.memory_space<vmem>>) target(%dma_start3A_69 : memref<1024x128xf32, #tpu.memory_space<vmem_shared>>) offsets(%dma_start3A_66 : memref<128xi32, #tpu.memory_space<vmem>>) semaphore(%run_scoped3A_61 : memref<!tpu.dma_semaphore, #tpu.memory_space<semaphore_mem>>) {add = true}
      %dma_wait3A = arith.constant 128 : i32
      %dma_wait3A_70 = arith.constant 0 : i32
      %dma_wait3A_71 = tpu.memref_slice %arg9[%dma_wait3A, %dma_wait3A_70] : memref<256x128xf32, #tpu.memory_space<vmem>> -> memref<128x128xf32, #tpu.memory_space<vmem>>
      %dma_wait3A_72 = arith.constant 0 : i32
      %dma_wait3A_73 = tpu.memref_slice %arg8[%run_scoped3A_17, %dma_wait3A_72] : memref<8x128xi32, #tpu.memory_space<vmem>> -> memref<1x128xi32, #tpu.memory_space<vmem>>
      %dma_wait3A_74 = tpu.memref_squeeze %dma_wait3A_73 : memref<1x128xi32, #tpu.memory_space<vmem>> -> memref<128xi32, #tpu.memory_space<vmem>>
      %dma_wait3A_75 = arith.constant 0 : i32
      %dma_wait3A_76 = arith.constant 0 : i32
      %dma_wait3A_77 = tpu.memref_slice %arg16[%dma_wait3A_75, %dma_wait3A_76] : memref<1024x128xf32, #tpu.memory_space<vmem_shared>> -> memref<1024x128xf32, #tpu.memory_space<vmem_shared>>
      tpu.wait_indirect_dma semaphore(%run_scoped3A_61 : memref<!tpu.dma_semaphore, #tpu.memory_space<semaphore_mem>>) src(%dma_wait3A_71 : memref<128x128xf32, #tpu.memory_space<vmem>>) dst(%dma_wait3A_77 : memref<1024x128xf32, #tpu.memory_space<vmem_shared>>)
      tpu.yield
    }) : () -> ()
    %mul3A_18 = arith.constant 1024 : i32
    %mul3A_19 = arith.muli %arg1, %mul3A_18 : i32
    %add3A_20 = arith.constant 512 : i32
    %add3A_21 = arith.addi %mul3A_19, %add3A_20 : i32
    "tpu.region"() ({
      %run_scoped3A_61 = tpu.sem_alloc : memref<!tpu.dma_semaphore, #tpu.memory_space<semaphore_mem>>
      %dma_start3A = arith.constant 0 : i32
      %dma_start3A_62 = tpu.memref_slice %arg3[%add3A_21, %dma_start3A] : memref<16384x128xf32, #tpu.memory_space<hbm>> -> memref<256x128xf32, #tpu.memory_space<hbm>>
      %dma_start3A_63 = arith.constant 0 : i32
      %dma_start3A_64 = tpu.memref_slice %arg3[%add3A_21, %dma_start3A_63] : memref<16384x128xf32, #tpu.memory_space<hbm>> -> memref<256x128xf32, #tpu.memory_space<hbm>>
      tpu.enqueue_dma source(%dma_start3A_64 : memref<256x128xf32, #tpu.memory_space<hbm>>) target(%arg9 : memref<256x128xf32, #tpu.memory_space<vmem>>) target_semaphore(%run_scoped3A_61 : memref<!tpu.dma_semaphore, #tpu.memory_space<semaphore_mem>>)
      %dma_wait3A = arith.constant 0 : i32
      %dma_wait3A_65 = tpu.memref_slice %arg3[%add3A_21, %dma_wait3A] : memref<16384x128xf32, #tpu.memory_space<hbm>> -> memref<256x128xf32, #tpu.memory_space<hbm>>
      %dma_wait3A_66 = arith.constant 0 : i32
      %dma_wait3A_67 = tpu.memref_slice %arg3[%add3A_21, %dma_wait3A_66] : memref<16384x128xf32, #tpu.memory_space<hbm>> -> memref<256x128xf32, #tpu.memory_space<hbm>>
      tpu.wait_dma2 semaphore(%run_scoped3A_61 : memref<!tpu.dma_semaphore, #tpu.memory_space<semaphore_mem>>) src(%dma_wait3A_67 : memref<256x128xf32, #tpu.memory_space<hbm>>) dst(%arg9 : memref<256x128xf32, #tpu.memory_space<vmem>>)
      tpu.yield
    }) : () -> ()
    %run_scoped3A_22 = arith.constant 4 : i32
    "tpu.region"() ({
      %run_scoped3A_61 = tpu.sem_alloc : memref<!tpu.dma_semaphore, #tpu.memory_space<semaphore_mem>>
      %dma_start3A = arith.constant 0 : i32
      %dma_start3A_62 = arith.constant 0 : i32
      %dma_start3A_63 = tpu.memref_slice %arg9[%dma_start3A, %dma_start3A_62] : memref<256x128xf32, #tpu.memory_space<vmem>> -> memref<128x128xf32, #tpu.memory_space<vmem>>
      %dma_start3A_64 = arith.constant 0 : i32
      %dma_start3A_65 = tpu.memref_slice %arg8[%run_scoped3A_22, %dma_start3A_64] : memref<8x128xi32, #tpu.memory_space<vmem>> -> memref<1x128xi32, #tpu.memory_space<vmem>>
      %dma_start3A_66 = tpu.memref_squeeze %dma_start3A_65 : memref<1x128xi32, #tpu.memory_space<vmem>> -> memref<128xi32, #tpu.memory_space<vmem>>
      %dma_start3A_67 = arith.constant 0 : i32
      %dma_start3A_68 = arith.constant 0 : i32
      %dma_start3A_69 = tpu.memref_slice %arg16[%dma_start3A_67, %dma_start3A_68] : memref<1024x128xf32, #tpu.memory_space<vmem_shared>> -> memref<1024x128xf32, #tpu.memory_space<vmem_shared>>
      tpu.enqueue_indirect_dma source(%dma_start3A_63 : memref<128x128xf32, #tpu.memory_space<vmem>>) target(%dma_start3A_69 : memref<1024x128xf32, #tpu.memory_space<vmem_shared>>) offsets(%dma_start3A_66 : memref<128xi32, #tpu.memory_space<vmem>>) semaphore(%run_scoped3A_61 : memref<!tpu.dma_semaphore, #tpu.memory_space<semaphore_mem>>) {add = true}
      %dma_wait3A = arith.constant 0 : i32
      %dma_wait3A_70 = arith.constant 0 : i32
      %dma_wait3A_71 = tpu.memref_slice %arg9[%dma_wait3A, %dma_wait3A_70] : memref<256x128xf32, #tpu.memory_space<vmem>> -> memref<128x128xf32, #tpu.memory_space<vmem>>
      %dma_wait3A_72 = arith.constant 0 : i32
      %dma_wait3A_73 = tpu.memref_slice %arg8[%run_scoped3A_22, %dma_wait3A_72] : memref<8x128xi32, #tpu.memory_space<vmem>> -> memref<1x128xi32, #tpu.memory_space<vmem>>
      %dma_wait3A_74 = tpu.memref_squeeze %dma_wait3A_73 : memref<1x128xi32, #tpu.memory_space<vmem>> -> memref<128xi32, #tpu.memory_space<vmem>>
      %dma_wait3A_75 = arith.constant 0 : i32
      %dma_wait3A_76 = arith.constant 0 : i32
      %dma_wait3A_77 = tpu.memref_slice %arg16[%dma_wait3A_75, %dma_wait3A_76] : memref<1024x128xf32, #tpu.memory_space<vmem_shared>> -> memref<1024x128xf32, #tpu.memory_space<vmem_shared>>
      tpu.wait_indirect_dma semaphore(%run_scoped3A_61 : memref<!tpu.dma_semaphore, #tpu.memory_space<semaphore_mem>>) src(%dma_wait3A_71 : memref<128x128xf32, #tpu.memory_space<vmem>>) dst(%dma_wait3A_77 : memref<1024x128xf32, #tpu.memory_space<vmem_shared>>)
      tpu.yield
    }) : () -> ()
    %run_scoped3A_23 = arith.constant 5 : i32
    "tpu.region"() ({
      %run_scoped3A_61 = tpu.sem_alloc : memref<!tpu.dma_semaphore, #tpu.memory_space<semaphore_mem>>
      %dma_start3A = arith.constant 128 : i32
      %dma_start3A_62 = arith.constant 0 : i32
      %dma_start3A_63 = tpu.memref_slice %arg9[%dma_start3A, %dma_start3A_62] : memref<256x128xf32, #tpu.memory_space<vmem>> -> memref<128x128xf32, #tpu.memory_space<vmem>>
      %dma_start3A_64 = arith.constant 0 : i32
      %dma_start3A_65 = tpu.memref_slice %arg8[%run_scoped3A_23, %dma_start3A_64] : memref<8x128xi32, #tpu.memory_space<vmem>> -> memref<1x128xi32, #tpu.memory_space<vmem>>
      %dma_start3A_66 = tpu.memref_squeeze %dma_start3A_65 : memref<1x128xi32, #tpu.memory_space<vmem>> -> memref<128xi32, #tpu.memory_space<vmem>>
      %dma_start3A_67 = arith.constant 0 : i32
      %dma_start3A_68 = arith.constant 0 : i32
      %dma_start3A_69 = tpu.memref_slice %arg16[%dma_start3A_67, %dma_start3A_68] : memref<1024x128xf32, #tpu.memory_space<vmem_shared>> -> memref<1024x128xf32, #tpu.memory_space<vmem_shared>>
      tpu.enqueue_indirect_dma source(%dma_start3A_63 : memref<128x128xf32, #tpu.memory_space<vmem>>) target(%dma_start3A_69 : memref<1024x128xf32, #tpu.memory_space<vmem_shared>>) offsets(%dma_start3A_66 : memref<128xi32, #tpu.memory_space<vmem>>) semaphore(%run_scoped3A_61 : memref<!tpu.dma_semaphore, #tpu.memory_space<semaphore_mem>>) {add = true}
      %dma_wait3A = arith.constant 128 : i32
      %dma_wait3A_70 = arith.constant 0 : i32
      %dma_wait3A_71 = tpu.memref_slice %arg9[%dma_wait3A, %dma_wait3A_70] : memref<256x128xf32, #tpu.memory_space<vmem>> -> memref<128x128xf32, #tpu.memory_space<vmem>>
      %dma_wait3A_72 = arith.constant 0 : i32
      %dma_wait3A_73 = tpu.memref_slice %arg8[%run_scoped3A_23, %dma_wait3A_72] : memref<8x128xi32, #tpu.memory_space<vmem>> -> memref<1x128xi32, #tpu.memory_space<vmem>>
      %dma_wait3A_74 = tpu.memref_squeeze %dma_wait3A_73 : memref<1x128xi32, #tpu.memory_space<vmem>> -> memref<128xi32, #tpu.memory_space<vmem>>
      %dma_wait3A_75 = arith.constant 0 : i32
      %dma_wait3A_76 = arith.constant 0 : i32
      %dma_wait3A_77 = tpu.memref_slice %arg16[%dma_wait3A_75, %dma_wait3A_76] : memref<1024x128xf32, #tpu.memory_space<vmem_shared>> -> memref<1024x128xf32, #tpu.memory_space<vmem_shared>>
      tpu.wait_indirect_dma semaphore(%run_scoped3A_61 : memref<!tpu.dma_semaphore, #tpu.memory_space<semaphore_mem>>) src(%dma_wait3A_71 : memref<128x128xf32, #tpu.memory_space<vmem>>) dst(%dma_wait3A_77 : memref<1024x128xf32, #tpu.memory_space<vmem_shared>>)
      tpu.yield
    }) : () -> ()
    %mul3A_24 = arith.constant 1024 : i32
    %mul3A_25 = arith.muli %arg1, %mul3A_24 : i32
    %add3A_26 = arith.constant 768 : i32
    %add3A_27 = arith.addi %mul3A_25, %add3A_26 : i32
    "tpu.region"() ({
      %run_scoped3A_61 = tpu.sem_alloc : memref<!tpu.dma_semaphore, #tpu.memory_space<semaphore_mem>>
      %dma_start3A = arith.constant 0 : i32
      %dma_start3A_62 = tpu.memref_slice %arg3[%add3A_27, %dma_start3A] : memref<16384x128xf32, #tpu.memory_space<hbm>> -> memref<256x128xf32, #tpu.memory_space<hbm>>
      %dma_start3A_63 = arith.constant 0 : i32
      %dma_start3A_64 = tpu.memref_slice %arg3[%add3A_27, %dma_start3A_63] : memref<16384x128xf32, #tpu.memory_space<hbm>> -> memref<256x128xf32, #tpu.memory_space<hbm>>
      tpu.enqueue_dma source(%dma_start3A_64 : memref<256x128xf32, #tpu.memory_space<hbm>>) target(%arg9 : memref<256x128xf32, #tpu.memory_space<vmem>>) target_semaphore(%run_scoped3A_61 : memref<!tpu.dma_semaphore, #tpu.memory_space<semaphore_mem>>)
      %dma_wait3A = arith.constant 0 : i32
      %dma_wait3A_65 = tpu.memref_slice %arg3[%add3A_27, %dma_wait3A] : memref<16384x128xf32, #tpu.memory_space<hbm>> -> memref<256x128xf32, #tpu.memory_space<hbm>>
      %dma_wait3A_66 = arith.constant 0 : i32
      %dma_wait3A_67 = tpu.memref_slice %arg3[%add3A_27, %dma_wait3A_66] : memref<16384x128xf32, #tpu.memory_space<hbm>> -> memref<256x128xf32, #tpu.memory_space<hbm>>
      tpu.wait_dma2 semaphore(%run_scoped3A_61 : memref<!tpu.dma_semaphore, #tpu.memory_space<semaphore_mem>>) src(%dma_wait3A_67 : memref<256x128xf32, #tpu.memory_space<hbm>>) dst(%arg9 : memref<256x128xf32, #tpu.memory_space<vmem>>)
      tpu.yield
    }) : () -> ()
    %run_scoped3A_28 = arith.constant 6 : i32
    "tpu.region"() ({
      %run_scoped3A_61 = tpu.sem_alloc : memref<!tpu.dma_semaphore, #tpu.memory_space<semaphore_mem>>
      %dma_start3A = arith.constant 0 : i32
      %dma_start3A_62 = arith.constant 0 : i32
      %dma_start3A_63 = tpu.memref_slice %arg9[%dma_start3A, %dma_start3A_62] : memref<256x128xf32, #tpu.memory_space<vmem>> -> memref<128x128xf32, #tpu.memory_space<vmem>>
      %dma_start3A_64 = arith.constant 0 : i32
      %dma_start3A_65 = tpu.memref_slice %arg8[%run_scoped3A_28, %dma_start3A_64] : memref<8x128xi32, #tpu.memory_space<vmem>> -> memref<1x128xi32, #tpu.memory_space<vmem>>
      %dma_start3A_66 = tpu.memref_squeeze %dma_start3A_65 : memref<1x128xi32, #tpu.memory_space<vmem>> -> memref<128xi32, #tpu.memory_space<vmem>>
      %dma_start3A_67 = arith.constant 0 : i32
      %dma_start3A_68 = arith.constant 0 : i32
      %dma_start3A_69 = tpu.memref_slice %arg16[%dma_start3A_67, %dma_start3A_68] : memref<1024x128xf32, #tpu.memory_space<vmem_shared>> -> memref<1024x128xf32, #tpu.memory_space<vmem_shared>>
      tpu.enqueue_indirect_dma source(%dma_start3A_63 : memref<128x128xf32, #tpu.memory_space<vmem>>) target(%dma_start3A_69 : memref<1024x128xf32, #tpu.memory_space<vmem_shared>>) offsets(%dma_start3A_66 : memref<128xi32, #tpu.memory_space<vmem>>) semaphore(%run_scoped3A_61 : memref<!tpu.dma_semaphore, #tpu.memory_space<semaphore_mem>>) {add = true}
      %dma_wait3A = arith.constant 0 : i32
      %dma_wait3A_70 = arith.constant 0 : i32
      %dma_wait3A_71 = tpu.memref_slice %arg9[%dma_wait3A, %dma_wait3A_70] : memref<256x128xf32, #tpu.memory_space<vmem>> -> memref<128x128xf32, #tpu.memory_space<vmem>>
      %dma_wait3A_72 = arith.constant 0 : i32
      %dma_wait3A_73 = tpu.memref_slice %arg8[%run_scoped3A_28, %dma_wait3A_72] : memref<8x128xi32, #tpu.memory_space<vmem>> -> memref<1x128xi32, #tpu.memory_space<vmem>>
      %dma_wait3A_74 = tpu.memref_squeeze %dma_wait3A_73 : memref<1x128xi32, #tpu.memory_space<vmem>> -> memref<128xi32, #tpu.memory_space<vmem>>
      %dma_wait3A_75 = arith.constant 0 : i32
      %dma_wait3A_76 = arith.constant 0 : i32
      %dma_wait3A_77 = tpu.memref_slice %arg16[%dma_wait3A_75, %dma_wait3A_76] : memref<1024x128xf32, #tpu.memory_space<vmem_shared>> -> memref<1024x128xf32, #tpu.memory_space<vmem_shared>>
      tpu.wait_indirect_dma semaphore(%run_scoped3A_61 : memref<!tpu.dma_semaphore, #tpu.memory_space<semaphore_mem>>) src(%dma_wait3A_71 : memref<128x128xf32, #tpu.memory_space<vmem>>) dst(%dma_wait3A_77 : memref<1024x128xf32, #tpu.memory_space<vmem_shared>>)
      tpu.yield
    }) : () -> ()
    %run_scoped3A_29 = arith.constant 7 : i32
    "tpu.region"() ({
      %run_scoped3A_61 = tpu.sem_alloc : memref<!tpu.dma_semaphore, #tpu.memory_space<semaphore_mem>>
      %dma_start3A = arith.constant 128 : i32
      %dma_start3A_62 = arith.constant 0 : i32
      %dma_start3A_63 = tpu.memref_slice %arg9[%dma_start3A, %dma_start3A_62] : memref<256x128xf32, #tpu.memory_space<vmem>> -> memref<128x128xf32, #tpu.memory_space<vmem>>
      %dma_start3A_64 = arith.constant 0 : i32
      %dma_start3A_65 = tpu.memref_slice %arg8[%run_scoped3A_29, %dma_start3A_64] : memref<8x128xi32, #tpu.memory_space<vmem>> -> memref<1x128xi32, #tpu.memory_space<vmem>>
      %dma_start3A_66 = tpu.memref_squeeze %dma_start3A_65 : memref<1x128xi32, #tpu.memory_space<vmem>> -> memref<128xi32, #tpu.memory_space<vmem>>
      %dma_start3A_67 = arith.constant 0 : i32
      %dma_start3A_68 = arith.constant 0 : i32
      %dma_start3A_69 = tpu.memref_slice %arg16[%dma_start3A_67, %dma_start3A_68] : memref<1024x128xf32, #tpu.memory_space<vmem_shared>> -> memref<1024x128xf32, #tpu.memory_space<vmem_shared>>
      tpu.enqueue_indirect_dma source(%dma_start3A_63 : memref<128x128xf32, #tpu.memory_space<vmem>>) target(%dma_start3A_69 : memref<1024x128xf32, #tpu.memory_space<vmem_shared>>) offsets(%dma_start3A_66 : memref<128xi32, #tpu.memory_space<vmem>>) semaphore(%run_scoped3A_61 : memref<!tpu.dma_semaphore, #tpu.memory_space<semaphore_mem>>) {add = true}
      %dma_wait3A = arith.constant 128 : i32
      %dma_wait3A_70 = arith.constant 0 : i32
      %dma_wait3A_71 = tpu.memref_slice %arg9[%dma_wait3A, %dma_wait3A_70] : memref<256x128xf32, #tpu.memory_space<vmem>> -> memref<128x128xf32, #tpu.memory_space<vmem>>
      %dma_wait3A_72 = arith.constant 0 : i32
      %dma_wait3A_73 = tpu.memref_slice %arg8[%run_scoped3A_29, %dma_wait3A_72] : memref<8x128xi32, #tpu.memory_space<vmem>> -> memref<1x128xi32, #tpu.memory_space<vmem>>
      %dma_wait3A_74 = tpu.memref_squeeze %dma_wait3A_73 : memref<1x128xi32, #tpu.memory_space<vmem>> -> memref<128xi32, #tpu.memory_space<vmem>>
      %dma_wait3A_75 = arith.constant 0 : i32
      %dma_wait3A_76 = arith.constant 0 : i32
      %dma_wait3A_77 = tpu.memref_slice %arg16[%dma_wait3A_75, %dma_wait3A_76] : memref<1024x128xf32, #tpu.memory_space<vmem_shared>> -> memref<1024x128xf32, #tpu.memory_space<vmem_shared>>
      tpu.wait_indirect_dma semaphore(%run_scoped3A_61 : memref<!tpu.dma_semaphore, #tpu.memory_space<semaphore_mem>>) src(%dma_wait3A_71 : memref<128x128xf32, #tpu.memory_space<vmem>>) dst(%dma_wait3A_77 : memref<1024x128xf32, #tpu.memory_space<vmem_shared>>)
      tpu.yield
    }) : () -> ()
    %barrier3A_30 = arith.constant 0 : index
    tpu.barrier barrier_id(%barrier3A_30)
    %mul3A_31 = arith.constant 64 : i32
    %mul3A_32 = arith.muli %arg1, %mul3A_31 : i32
    "tpu.region"() ({
      %run_scoped3A_61 = tpu.sem_alloc : memref<!tpu.dma_semaphore, #tpu.memory_space<semaphore_mem>>
      %dma_start3A = arith.constant 0 : i32
      %dma_start3A_62 = tpu.memref_slice %arg16[%mul3A_32, %dma_start3A] : memref<1024x128xf32, #tpu.memory_space<vmem_shared>> -> memref<64x128xf32, #tpu.memory_space<vmem_shared>>
      %dma_start3A_63 = arith.constant 0 : i32
      %dma_start3A_64 = tpu.memref_slice %arg16[%mul3A_32, %dma_start3A_63] : memref<1024x128xf32, #tpu.memory_space<vmem_shared>> -> memref<64x128xf32, #tpu.memory_space<vmem_shared>>
      tpu.enqueue_dma source(%dma_start3A_64 : memref<64x128xf32, #tpu.memory_space<vmem_shared>>) target(%arg10 : memref<64x128xf32, #tpu.memory_space<vmem>>) target_semaphore(%run_scoped3A_61 : memref<!tpu.dma_semaphore, #tpu.memory_space<semaphore_mem>>)
      %dma_wait3A = arith.constant 0 : i32
      %dma_wait3A_65 = tpu.memref_slice %arg16[%mul3A_32, %dma_wait3A] : memref<1024x128xf32, #tpu.memory_space<vmem_shared>> -> memref<64x128xf32, #tpu.memory_space<vmem_shared>>
      %dma_wait3A_66 = arith.constant 0 : i32
      %dma_wait3A_67 = tpu.memref_slice %arg16[%mul3A_32, %dma_wait3A_66] : memref<1024x128xf32, #tpu.memory_space<vmem_shared>> -> memref<64x128xf32, #tpu.memory_space<vmem_shared>>
      tpu.wait_dma2 semaphore(%run_scoped3A_61 : memref<!tpu.dma_semaphore, #tpu.memory_space<semaphore_mem>>) src(%dma_wait3A_67 : memref<64x128xf32, #tpu.memory_space<vmem_shared>>) dst(%arg10 : memref<64x128xf32, #tpu.memory_space<vmem>>)
      tpu.yield
    }) : () -> ()
    %mul3A_33 = arith.constant 64 : i32
    %mul3A_34 = arith.muli %arg1, %mul3A_33 : i32
    "tpu.region"() ({
      %run_scoped3A_61 = tpu.sem_alloc : memref<!tpu.dma_semaphore, #tpu.memory_space<semaphore_mem>>
      %dma_start3A = arith.constant 0 : i32
      %dma_start3A_62 = tpu.memref_slice %arg4[%mul3A_34, %dma_start3A] : memref<1024x16xf32, #tpu.memory_space<hbm>> -> memref<64x16xf32, #tpu.memory_space<hbm>>
      %dma_start3A_63 = arith.constant 0 : i32
      %dma_start3A_64 = tpu.memref_slice %arg4[%mul3A_34, %dma_start3A_63] : memref<1024x16xf32, #tpu.memory_space<hbm>> -> memref<64x16xf32, #tpu.memory_space<hbm>>
      tpu.enqueue_dma source(%dma_start3A_64 : memref<64x16xf32, #tpu.memory_space<hbm>>) target(%arg11 : memref<64x16xf32, #tpu.memory_space<vmem>>) target_semaphore(%run_scoped3A_61 : memref<!tpu.dma_semaphore, #tpu.memory_space<semaphore_mem>>)
      %dma_wait3A = arith.constant 0 : i32
      %dma_wait3A_65 = tpu.memref_slice %arg4[%mul3A_34, %dma_wait3A] : memref<1024x16xf32, #tpu.memory_space<hbm>> -> memref<64x16xf32, #tpu.memory_space<hbm>>
      %dma_wait3A_66 = arith.constant 0 : i32
      %dma_wait3A_67 = tpu.memref_slice %arg4[%mul3A_34, %dma_wait3A_66] : memref<1024x16xf32, #tpu.memory_space<hbm>> -> memref<64x16xf32, #tpu.memory_space<hbm>>
      tpu.wait_dma2 semaphore(%run_scoped3A_61 : memref<!tpu.dma_semaphore, #tpu.memory_space<semaphore_mem>>) src(%dma_wait3A_67 : memref<64x16xf32, #tpu.memory_space<hbm>>) dst(%arg11 : memref<64x16xf32, #tpu.memory_space<vmem>>)
      tpu.yield
    }) : () -> ()
    %mul3A_35 = arith.constant 64 : i32
    %mul3A_36 = arith.muli %arg1, %mul3A_35 : i32
    "tpu.region"() ({
      %run_scoped3A_61 = tpu.sem_alloc : memref<!tpu.dma_semaphore, #tpu.memory_space<semaphore_mem>>
      %dma_start3A = arith.constant 0 : i32
      %dma_start3A_62 = tpu.memref_slice %arg5[%mul3A_36, %dma_start3A] : memref<1024x128xf32, #tpu.memory_space<hbm>> -> memref<64x128xf32, #tpu.memory_space<hbm>>
      %dma_start3A_63 = arith.constant 0 : i32
      %dma_start3A_64 = tpu.memref_slice %arg5[%mul3A_36, %dma_start3A_63] : memref<1024x128xf32, #tpu.memory_space<hbm>> -> memref<64x128xf32, #tpu.memory_space<hbm>>
      tpu.enqueue_dma source(%dma_start3A_64 : memref<64x128xf32, #tpu.memory_space<hbm>>) target(%arg12 : memref<64x128xf32, #tpu.memory_space<vmem>>) target_semaphore(%run_scoped3A_61 : memref<!tpu.dma_semaphore, #tpu.memory_space<semaphore_mem>>)
      %dma_wait3A = arith.constant 0 : i32
      %dma_wait3A_65 = tpu.memref_slice %arg5[%mul3A_36, %dma_wait3A] : memref<1024x128xf32, #tpu.memory_space<hbm>> -> memref<64x128xf32, #tpu.memory_space<hbm>>
      %dma_wait3A_66 = arith.constant 0 : i32
      %dma_wait3A_67 = tpu.memref_slice %arg5[%mul3A_36, %dma_wait3A_66] : memref<1024x128xf32, #tpu.memory_space<hbm>> -> memref<64x128xf32, #tpu.memory_space<hbm>>
      tpu.wait_dma2 semaphore(%run_scoped3A_61 : memref<!tpu.dma_semaphore, #tpu.memory_space<semaphore_mem>>) src(%dma_wait3A_67 : memref<64x128xf32, #tpu.memory_space<hbm>>) dst(%arg12 : memref<64x128xf32, #tpu.memory_space<vmem>>)
      tpu.yield
    }) : () -> ()
    %broadcast_in_dim3A_37 = arith.constant 0.000000e+00 : f32
    %broadcast_in_dim3A_38 = vector.broadcast %broadcast_in_dim3A_37 : f32 to vector<16xf32>
    %broadcast_in_dim3A_39 = arith.constant 0.000000e+00 : f32
    %broadcast_in_dim3A_40 = vector.broadcast %broadcast_in_dim3A_39 : f32 to vector<16xf32>
    %scan3A_41 = arith.constant 0 : i32
    %scan3A_42 = arith.constant 64 : i32
    %scan3A_43 = arith.addi %scan3A_41, %scan3A_42 : i32
    %scan3A_44 = arith.constant 1 : i32
    %scan3A_45:2 = scf.for %scan3A_61 = %scan3A_41 to %scan3A_43 step %scan3A_44 iter_args(%scan3A_62 = %broadcast_in_dim3A_38, %scan3A_63 = %broadcast_in_dim3A_40) -> (vector<16xf32>, vector<16xf32>)  : i32 {
      %broadcast_in_dim3A_64 = arith.constant 0.000000e+00 : f32
      %broadcast_in_dim3A_65 = vector.broadcast %broadcast_in_dim3A_64 : f32 to vector<16xf32>
      %get3A = arith.index_cast %scan3A_61 : i32 to index
      %get3A_66 = arith.constant 0 : index
      %get3A_67 = tpu.vector_load %arg10[%get3A, %get3A_66] {strides = array<i32>} : memref<64x128xf32, #tpu.memory_space<vmem>>, vector<1x16xf32>,
      %get3A_68 = vector.shape_cast %get3A_67 : vector<1x16xf32> to vector<16xf32>
      %get3A_69 = arith.index_cast %scan3A_61 : i32 to index
      %get3A_70 = arith.constant 0 : index
      %get3A_71 = tpu.vector_load %arg12[%get3A_69, %get3A_70] {strides = array<i32>} : memref<64x128xf32, #tpu.memory_space<vmem>>, vector<1x16xf32>,
      %get3A_72 = vector.shape_cast %get3A_71 : vector<1x16xf32> to vector<16xf32>
      %mul3A_73 = arith.mulf %get3A_68, %get3A_72 : vector<16xf32>
      %add3A_74 = arith.addf %broadcast_in_dim3A_65, %mul3A_73 : vector<16xf32>
      %get3A_75 = arith.index_cast %scan3A_61 : i32 to index
      %get3A_76 = arith.constant 16 : index
      %get3A_77 = tpu.vector_load %arg10[%get3A_75, %get3A_76] {strides = array<i32>} : memref<64x128xf32, #tpu.memory_space<vmem>>, vector<1x16xf32>,
      %get3A_78 = vector.shape_cast %get3A_77 : vector<1x16xf32> to vector<16xf32>
      %get3A_79 = arith.index_cast %scan3A_61 : i32 to index
      %get3A_80 = arith.constant 16 : index
      %get3A_81 = tpu.vector_load %arg12[%get3A_79, %get3A_80] {strides = array<i32>} : memref<64x128xf32, #tpu.memory_space<vmem>>, vector<1x16xf32>,
      %get3A_82 = vector.shape_cast %get3A_81 : vector<1x16xf32> to vector<16xf32>
      %mul3A_83 = arith.mulf %get3A_78, %get3A_82 : vector<16xf32>
      %add3A_84 = arith.addf %add3A_74, %mul3A_83 : vector<16xf32>
      %get3A_85 = arith.index_cast %scan3A_61 : i32 to index
      %get3A_86 = arith.constant 32 : index
      %get3A_87 = tpu.vector_load %arg10[%get3A_85, %get3A_86] {strides = array<i32>} : memref<64x128xf32, #tpu.memory_space<vmem>>, vector<1x16xf32>,
      %get3A_88 = vector.shape_cast %get3A_87 : vector<1x16xf32> to vector<16xf32>
      %get3A_89 = arith.index_cast %scan3A_61 : i32 to index
      %get3A_90 = arith.constant 32 : index
      %get3A_91 = tpu.vector_load %arg12[%get3A_89, %get3A_90] {strides = array<i32>} : memref<64x128xf32, #tpu.memory_space<vmem>>, vector<1x16xf32>,
      %get3A_92 = vector.shape_cast %get3A_91 : vector<1x16xf32> to vector<16xf32>
      %mul3A_93 = arith.mulf %get3A_88, %get3A_92 : vector<16xf32>
      %add3A_94 = arith.addf %add3A_84, %mul3A_93 : vector<16xf32>
      %get3A_95 = arith.index_cast %scan3A_61 : i32 to index
      %get3A_96 = arith.constant 48 : index
      %get3A_97 = tpu.vector_load %arg10[%get3A_95, %get3A_96] {strides = array<i32>} : memref<64x128xf32, #tpu.memory_space<vmem>>, vector<1x16xf32>,
      %get3A_98 = vector.shape_cast %get3A_97 : vector<1x16xf32> to vector<16xf32>
      %get3A_99 = arith.index_cast %scan3A_61 : i32 to index
      %get3A_100 = arith.constant 48 : index
      %get3A_101 = tpu.vector_load %arg12[%get3A_99, %get3A_100] {strides = array<i32>} : memref<64x128xf32, #tpu.memory_space<vmem>>, vector<1x16xf32>,
      %get3A_102 = vector.shape_cast %get3A_101 : vector<1x16xf32> to vector<16xf32>
      %mul3A_103 = arith.mulf %get3A_98, %get3A_102 : vector<16xf32>
      %add3A_104 = arith.addf %add3A_94, %mul3A_103 : vector<16xf32>
      %get3A_105 = arith.index_cast %scan3A_61 : i32 to index
      %get3A_106 = arith.constant 64 : index
      %get3A_107 = tpu.vector_load %arg10[%get3A_105, %get3A_106] {strides = array<i32>} : memref<64x128xf32, #tpu.memory_space<vmem>>, vector<1x16xf32>,
      %get3A_108 = vector.shape_cast %get3A_107 : vector<1x16xf32> to vector<16xf32>
      %get3A_109 = arith.index_cast %scan3A_61 : i32 to index
      %get3A_110 = arith.constant 64 : index
      %get3A_111 = tpu.vector_load %arg12[%get3A_109, %get3A_110] {strides = array<i32>} : memref<64x128xf32, #tpu.memory_space<vmem>>, vector<1x16xf32>,
      %get3A_112 = vector.shape_cast %get3A_111 : vector<1x16xf32> to vector<16xf32>
      %mul3A_113 = arith.mulf %get3A_108, %get3A_112 : vector<16xf32>
      %add3A_114 = arith.addf %add3A_104, %mul3A_113 : vector<16xf32>
      %get3A_115 = arith.index_cast %scan3A_61 : i32 to index
      %get3A_116 = arith.constant 80 : index
      %get3A_117 = tpu.vector_load %arg10[%get3A_115, %get3A_116] {strides = array<i32>} : memref<64x128xf32, #tpu.memory_space<vmem>>, vector<1x16xf32>,
      %get3A_118 = vector.shape_cast %get3A_117 : vector<1x16xf32> to vector<16xf32>
      %get3A_119 = arith.index_cast %scan3A_61 : i32 to index
      %get3A_120 = arith.constant 80 : index
      %get3A_121 = tpu.vector_load %arg12[%get3A_119, %get3A_120] {strides = array<i32>} : memref<64x128xf32, #tpu.memory_space<vmem>>, vector<1x16xf32>,
      %get3A_122 = vector.shape_cast %get3A_121 : vector<1x16xf32> to vector<16xf32>
      %mul3A_123 = arith.mulf %get3A_118, %get3A_122 : vector<16xf32>
      %add3A_124 = arith.addf %add3A_114, %mul3A_123 : vector<16xf32>
      %get3A_125 = arith.index_cast %scan3A_61 : i32 to index
      %get3A_126 = arith.constant 96 : index
      %get3A_127 = tpu.vector_load %arg10[%get3A_125, %get3A_126] {strides = array<i32>} : memref<64x128xf32, #tpu.memory_space<vmem>>, vector<1x16xf32>,
      %get3A_128 = vector.shape_cast %get3A_127 : vector<1x16xf32> to vector<16xf32>
      %get3A_129 = arith.index_cast %scan3A_61 : i32 to index
      %get3A_130 = arith.constant 96 : index
      %get3A_131 = tpu.vector_load %arg12[%get3A_129, %get3A_130] {strides = array<i32>} : memref<64x128xf32, #tpu.memory_space<vmem>>, vector<1x16xf32>,
      %get3A_132 = vector.shape_cast %get3A_131 : vector<1x16xf32> to vector<16xf32>
      %mul3A_133 = arith.mulf %get3A_128, %get3A_132 : vector<16xf32>
      %add3A_134 = arith.addf %add3A_124, %mul3A_133 : vector<16xf32>
      %get3A_135 = arith.index_cast %scan3A_61 : i32 to index
      %get3A_136 = arith.constant 112 : index
      %get3A_137 = tpu.vector_load %arg10[%get3A_135, %get3A_136] {strides = array<i32>} : memref<64x128xf32, #tpu.memory_space<vmem>>, vector<1x16xf32>,
      %get3A_138 = vector.shape_cast %get3A_137 : vector<1x16xf32> to vector<16xf32>
      %get3A_139 = arith.index_cast %scan3A_61 : i32 to index
      %get3A_140 = arith.constant 112 : index
      %get3A_141 = tpu.vector_load %arg12[%get3A_139, %get3A_140] {strides = array<i32>} : memref<64x128xf32, #tpu.memory_space<vmem>>, vector<1x16xf32>,
      %get3A_142 = vector.shape_cast %get3A_141 : vector<1x16xf32> to vector<16xf32>
      %mul3A_143 = arith.mulf %get3A_138, %get3A_142 : vector<16xf32>
      %add3A_144 = arith.addf %add3A_134, %mul3A_143 : vector<16xf32>
      %get3A_145 = arith.index_cast %scan3A_61 : i32 to index
      %get3A_146 = arith.constant 0 : index
      %get3A_147 = tpu.vector_load %arg11[%get3A_145, %get3A_146] {strides = array<i32>} : memref<64x16xf32, #tpu.memory_space<vmem>>, vector<1x16xf32>,
      %get3A_148 = vector.shape_cast %get3A_147 : vector<1x16xf32> to vector<16xf32>
      %gt3A = arith.constant 0.000000e+00 : f32
      %gt3A_149 = vector.broadcast %gt3A : f32 to vector<16xf32>
      %gt3A_150 = arith.cmpf ogt, %get3A_148, %gt3A_149 : vector<16xf32>
      %max3A = arith.constant 1.000000e+00 : f32
      %max3A_151 = vector.broadcast %max3A : f32 to vector<16xf32>
      %max3A_152 = arith.maximumf %get3A_148, %max3A_151 : vector<16xf32>
      %div3A = arith.divf %add3A_144, %max3A_152 : vector<16xf32>
      %jit3A = arith.constant 0.000000e+00 : f32
      %broadcast_in_dim3A_153 = vector.broadcast %jit3A : f32 to vector<16xf32>
      %select_n3A = arith.select %gt3A_150, %div3A, %broadcast_in_dim3A_153 : vector<16xi1>, vector<16xf32>
      %add3A_154 = arith.addf %scan3A_62, %select_n3A : vector<16xf32>
      %jit3A_155 = arith.constant 1.000000e+00 : f32
      %jit3A_156 = arith.constant 0.000000e+00 : f32
      %broadcast_in_dim3A_157 = vector.broadcast %jit3A_155 : f32 to vector<16xf32>
      %broadcast_in_dim3A_158 = vector.broadcast %jit3A_156 : f32 to vector<16xf32>
      %select_n3A_159 = arith.select %gt3A_150, %broadcast_in_dim3A_157, %broadcast_in_dim3A_158 : vector<16xi1>, vector<16xf32>
      %add3A_160 = arith.addf %scan3A_63, %select_n3A_159 : vector<16xf32>
      scf.yield %add3A_154, %add3A_160 : vector<16xf32>, vector<16xf32>
    }
    %scan3A_46 = arith.constant 64 : i32
    %swap3A = arith.constant 0 : i32
    %swap3A_47 = arith.index_cast %swap3A : i32 to index
    %swap3A_48 = arith.constant 0 : index
    %swap3A_49 = tpu.vector_load %arg13[%swap3A_47, %swap3A_48] {strides = array<i32>} : memref<2x16xf32, #tpu.memory_space<vmem>>, vector<1x16xf32>,
    %swap3A_50 = vector.shape_cast %swap3A_49 : vector<1x16xf32> to vector<16xf32>
    %swap3A_51 = vector.shape_cast %scan3A_45#0 : vector<16xf32> to vector<1x16xf32>
    tpu.vector_store %arg13[%swap3A_47, %swap3A_48], %swap3A_51 {strides = array<i32>} : memref<2x16xf32, #tpu.memory_space<vmem>>, vector<1x16xf32>,
    %swap3A_52 = arith.constant 1 : i32
    %swap3A_53 = arith.index_cast %swap3A_52 : i32 to index
    %swap3A_54 = arith.constant 0 : index
    %swap3A_55 = tpu.vector_load %arg13[%swap3A_53, %swap3A_54] {strides = array<i32>} : memref<2x16xf32, #tpu.memory_space<vmem>>, vector<1x16xf32>,
    %swap3A_56 = vector.shape_cast %swap3A_55 : vector<1x16xf32> to vector<16xf32>
    %swap3A_57 = vector.shape_cast %scan3A_45#1 : vector<16xf32> to vector<1x16xf32>
    tpu.vector_store %arg13[%swap3A_53, %swap3A_54], %swap3A_57 {strides = array<i32>} : memref<2x16xf32, #tpu.memory_space<vmem>>, vector<1x16xf32>,
    "tpu.region"() ({
      %run_scoped3A_61 = tpu.sem_alloc : memref<!tpu.dma_semaphore, #tpu.memory_space<semaphore_mem>>
      %dma_start3A = arith.constant 0 : i32
      %dma_start3A_62 = arith.constant 0 : i32
      %dma_start3A_63 = tpu.memref_slice %arg7[%arg1, %dma_start3A, %dma_start3A_62] : memref<16x2x16xf32, #tpu.memory_space<hbm>> -> memref<1x2x16xf32, #tpu.memory_space<hbm>>
      %dma_start3A_64 = tpu.memref_squeeze %dma_start3A_63 : memref<1x2x16xf32, #tpu.memory_space<hbm>> -> memref<2x16xf32, #tpu.memory_space<hbm>>
      %dma_start3A_65 = arith.constant 0 : i32
      %dma_start3A_66 = arith.constant 0 : i32
      %dma_start3A_67 = tpu.memref_slice %arg7[%arg1, %dma_start3A_65, %dma_start3A_66] : memref<16x2x16xf32, #tpu.memory_space<hbm>> -> memref<1x2x16xf32, #tpu.memory_space<hbm>>
      %dma_start3A_68 = tpu.memref_squeeze %dma_start3A_67 : memref<1x2x16xf32, #tpu.memory_space<hbm>> -> memref<2x16xf32, #tpu.memory_space<hbm>>
      tpu.enqueue_dma source(%arg13 : memref<2x16xf32, #tpu.memory_space<vmem>>) target(%dma_start3A_68 : memref<2x16xf32, #tpu.memory_space<hbm>>) target_semaphore(%run_scoped3A_61 : memref<!tpu.dma_semaphore, #tpu.memory_space<semaphore_mem>>)
      %dma_wait3A = arith.constant 0 : i32
      %dma_wait3A_69 = arith.constant 0 : i32
      %dma_wait3A_70 = tpu.memref_slice %arg7[%arg1, %dma_wait3A, %dma_wait3A_69] : memref<16x2x16xf32, #tpu.memory_space<hbm>> -> memref<1x2x16xf32, #tpu.memory_space<hbm>>
      %dma_wait3A_71 = tpu.memref_squeeze %dma_wait3A_70 : memref<1x2x16xf32, #tpu.memory_space<hbm>> -> memref<2x16xf32, #tpu.memory_space<hbm>>
      %dma_wait3A_72 = arith.constant 0 : i32
      %dma_wait3A_73 = arith.constant 0 : i32
      %dma_wait3A_74 = tpu.memref_slice %arg7[%arg1, %dma_wait3A_72, %dma_wait3A_73] : memref<16x2x16xf32, #tpu.memory_space<hbm>> -> memref<1x2x16xf32, #tpu.memory_space<hbm>>
      %dma_wait3A_75 = tpu.memref_squeeze %dma_wait3A_74 : memref<1x2x16xf32, #tpu.memory_space<hbm>> -> memref<2x16xf32, #tpu.memory_space<hbm>>
      tpu.wait_dma2 semaphore(%run_scoped3A_61 : memref<!tpu.dma_semaphore, #tpu.memory_space<semaphore_mem>>) src(%arg13 : memref<2x16xf32, #tpu.memory_space<vmem>>) dst(%dma_wait3A_75 : memref<2x16xf32, #tpu.memory_space<hbm>>)
      tpu.yield
    }) : () -> ()
    %barrier3A_58 = arith.constant 0 : index
    tpu.barrier barrier_id(%barrier3A_58)
    %eq3A = arith.constant 0 : i32
    %eq3A_59 = arith.cmpi eq, %arg1, %eq3A : i32
    %convert_element_type3A = arith.extui %eq3A_59 : i1 to i32
    %cond3A = arith.constant 0 : i32
    %cond3A_60 = arith.cmpi ne, %convert_element_type3A, %cond3A : i32
    scf.if %cond3A_60 {
      "tpu.region"() ({
        %run_scoped3A_425 = tpu.sem_alloc : memref<!tpu.dma_semaphore, #tpu.memory_space<semaphore_mem>>
        tpu.enqueue_dma source(%arg7 : memref<16x2x16xf32, #tpu.memory_space<hbm>>) target(%arg14 : memref<16x2x16xf32, #tpu.memory_space<vmem>>) target_semaphore(%run_scoped3A_425 : memref<!tpu.dma_semaphore, #tpu.memory_space<semaphore_mem>>)
        tpu.wait_dma2 semaphore(%run_scoped3A_425 : memref<!tpu.dma_semaphore, #tpu.memory_space<semaphore_mem>>) src(%arg7 : memref<16x2x16xf32, #tpu.memory_space<hbm>>) dst(%arg14 : memref<16x2x16xf32, #tpu.memory_space<vmem>>)
        tpu.yield
      }) : () -> ()
      %broadcast_in_dim3A_61 = arith.constant 0.000000e+00 : f32
      %broadcast_in_dim3A_62 = vector.broadcast %broadcast_in_dim3A_61 : f32 to vector<16xf32>
      %broadcast_in_dim3A_63 = arith.constant 0.000000e+00 : f32
      %broadcast_in_dim3A_64 = vector.broadcast %broadcast_in_dim3A_63 : f32 to vector<16xf32>
      %get3A = arith.constant 0 : i32
      %get3A_65 = arith.constant 0 : i32
      %get3A_66 = arith.index_cast %get3A : i32 to index
      %get3A_67 = arith.index_cast %get3A_65 : i32 to index
      %get3A_68 = arith.constant 0 : index
      %get3A_69 = tpu.vector_load %arg14[%get3A_66, %get3A_67, %get3A_68] {strides = array<i32>} : memref<16x2x16xf32, #tpu.memory_space<vmem>>, vector<1x1x16xf32>,
      %get3A_70 = vector.shape_cast %get3A_69 : vector<1x1x16xf32> to vector<16xf32>
      %add3A_71 = arith.addf %broadcast_in_dim3A_62, %get3A_70 : vector<16xf32>
      %get3A_72 = arith.constant 0 : i32
      %get3A_73 = arith.constant 1 : i32
      %get3A_74 = arith.index_cast %get3A_72 : i32 to index
      %get3A_75 = arith.index_cast %get3A_73 : i32 to index
      %get3A_76 = arith.constant 0 : index
      %get3A_77 = tpu.vector_load %arg14[%get3A_74, %get3A_75, %get3A_76] {strides = array<i32>} : memref<16x2x16xf32, #tpu.memory_space<vmem>>, vector<1x1x16xf32>,
      %get3A_78 = vector.shape_cast %get3A_77 : vector<1x1x16xf32> to vector<16xf32>
      %add3A_79 = arith.addf %broadcast_in_dim3A_64, %get3A_78 : vector<16xf32>
      %get3A_80 = arith.constant 1 : i32
      %get3A_81 = arith.constant 0 : i32
      %get3A_82 = arith.index_cast %get3A_80 : i32 to index
      %get3A_83 = arith.index_cast %get3A_81 : i32 to index
      %get3A_84 = arith.constant 0 : index
      %get3A_85 = tpu.vector_load %arg14[%get3A_82, %get3A_83, %get3A_84] {strides = array<i32>} : memref<16x2x16xf32, #tpu.memory_space<vmem>>, vector<1x1x16xf32>,
      %get3A_86 = vector.shape_cast %get3A_85 : vector<1x1x16xf32> to vector<16xf32>
      %add3A_87 = arith.addf %add3A_71, %get3A_86 : vector<16xf32>
      %get3A_88 = arith.constant 1 : i32
      %get3A_89 = arith.constant 1 : i32
      %get3A_90 = arith.index_cast %get3A_88 : i32 to index
      %get3A_91 = arith.index_cast %get3A_89 : i32 to index
      %get3A_92 = arith.constant 0 : index
      %get3A_93 = tpu.vector_load %arg14[%get3A_90, %get3A_91, %get3A_92] {strides = array<i32>} : memref<16x2x16xf32, #tpu.memory_space<vmem>>, vector<1x1x16xf32>,
      %get3A_94 = vector.shape_cast %get3A_93 : vector<1x1x16xf32> to vector<16xf32>
      %add3A_95 = arith.addf %add3A_79, %get3A_94 : vector<16xf32>
      %get3A_96 = arith.constant 2 : i32
      %get3A_97 = arith.constant 0 : i32
      %get3A_98 = arith.index_cast %get3A_96 : i32 to index
      %get3A_99 = arith.index_cast %get3A_97 : i32 to index
      %get3A_100 = arith.constant 0 : index
      %get3A_101 = tpu.vector_load %arg14[%get3A_98, %get3A_99, %get3A_100] {strides = array<i32>} : memref<16x2x16xf32, #tpu.memory_space<vmem>>, vector<1x1x16xf32>,
      %get3A_102 = vector.shape_cast %get3A_101 : vector<1x1x16xf32> to vector<16xf32>
      %add3A_103 = arith.addf %add3A_87, %get3A_102 : vector<16xf32>
      %get3A_104 = arith.constant 2 : i32
      %get3A_105 = arith.constant 1 : i32
      %get3A_106 = arith.index_cast %get3A_104 : i32 to index
      %get3A_107 = arith.index_cast %get3A_105 : i32 to index
      %get3A_108 = arith.constant 0 : index
      %get3A_109 = tpu.vector_load %arg14[%get3A_106, %get3A_107, %get3A_108] {strides = array<i32>} : memref<16x2x16xf32, #tpu.memory_space<vmem>>, vector<1x1x16xf32>,
      %get3A_110 = vector.shape_cast %get3A_109 : vector<1x1x16xf32> to vector<16xf32>
      %add3A_111 = arith.addf %add3A_95, %get3A_110 : vector<16xf32>
      %get3A_112 = arith.constant 3 : i32
      %get3A_113 = arith.constant 0 : i32
      %get3A_114 = arith.index_cast %get3A_112 : i32 to index
      %get3A_115 = arith.index_cast %get3A_113 : i32 to index
      %get3A_116 = arith.constant 0 : index
      %get3A_117 = tpu.vector_load %arg14[%get3A_114, %get3A_115, %get3A_116] {strides = array<i32>} : memref<16x2x16xf32, #tpu.memory_space<vmem>>, vector<1x1x16xf32>,
      %get3A_118 = vector.shape_cast %get3A_117 : vector<1x1x16xf32> to vector<16xf32>
      %add3A_119 = arith.addf %add3A_103, %get3A_118 : vector<16xf32>
      %get3A_120 = arith.constant 3 : i32
      %get3A_121 = arith.constant 1 : i32
      %get3A_122 = arith.index_cast %get3A_120 : i32 to index
      %get3A_123 = arith.index_cast %get3A_121 : i32 to index
      %get3A_124 = arith.constant 0 : index
      %get3A_125 = tpu.vector_load %arg14[%get3A_122, %get3A_123, %get3A_124] {strides = array<i32>} : memref<16x2x16xf32, #tpu.memory_space<vmem>>, vector<1x1x16xf32>,
      %get3A_126 = vector.shape_cast %get3A_125 : vector<1x1x16xf32> to vector<16xf32>
      %add3A_127 = arith.addf %add3A_111, %get3A_126 : vector<16xf32>
      %get3A_128 = arith.constant 4 : i32
      %get3A_129 = arith.constant 0 : i32
      %get3A_130 = arith.index_cast %get3A_128 : i32 to index
      %get3A_131 = arith.index_cast %get3A_129 : i32 to index
      %get3A_132 = arith.constant 0 : index
      %get3A_133 = tpu.vector_load %arg14[%get3A_130, %get3A_131, %get3A_132] {strides = array<i32>} : memref<16x2x16xf32, #tpu.memory_space<vmem>>, vector<1x1x16xf32>,
      %get3A_134 = vector.shape_cast %get3A_133 : vector<1x1x16xf32> to vector<16xf32>
      %add3A_135 = arith.addf %add3A_119, %get3A_134 : vector<16xf32>
      %get3A_136 = arith.constant 4 : i32
      %get3A_137 = arith.constant 1 : i32
      %get3A_138 = arith.index_cast %get3A_136 : i32 to index
      %get3A_139 = arith.index_cast %get3A_137 : i32 to index
      %get3A_140 = arith.constant 0 : index
      %get3A_141 = tpu.vector_load %arg14[%get3A_138, %get3A_139, %get3A_140] {strides = array<i32>} : memref<16x2x16xf32, #tpu.memory_space<vmem>>, vector<1x1x16xf32>,
      %get3A_142 = vector.shape_cast %get3A_141 : vector<1x1x16xf32> to vector<16xf32>
      %add3A_143 = arith.addf %add3A_127, %get3A_142 : vector<16xf32>
      %get3A_144 = arith.constant 5 : i32
      %get3A_145 = arith.constant 0 : i32
      %get3A_146 = arith.index_cast %get3A_144 : i32 to index
      %get3A_147 = arith.index_cast %get3A_145 : i32 to index
      %get3A_148 = arith.constant 0 : index
      %get3A_149 = tpu.vector_load %arg14[%get3A_146, %get3A_147, %get3A_148] {strides = array<i32>} : memref<16x2x16xf32, #tpu.memory_space<vmem>>, vector<1x1x16xf32>,
      %get3A_150 = vector.shape_cast %get3A_149 : vector<1x1x16xf32> to vector<16xf32>
      %add3A_151 = arith.addf %add3A_135, %get3A_150 : vector<16xf32>
      %get3A_152 = arith.constant 5 : i32
      %get3A_153 = arith.constant 1 : i32
      %get3A_154 = arith.index_cast %get3A_152 : i32 to index
      %get3A_155 = arith.index_cast %get3A_153 : i32 to index
      %get3A_156 = arith.constant 0 : index
      %get3A_157 = tpu.vector_load %arg14[%get3A_154, %get3A_155, %get3A_156] {strides = array<i32>} : memref<16x2x16xf32, #tpu.memory_space<vmem>>, vector<1x1x16xf32>,
      %get3A_158 = vector.shape_cast %get3A_157 : vector<1x1x16xf32> to vector<16xf32>
      %add3A_159 = arith.addf %add3A_143, %get3A_158 : vector<16xf32>
      %get3A_160 = arith.constant 6 : i32
      %get3A_161 = arith.constant 0 : i32
      %get3A_162 = arith.index_cast %get3A_160 : i32 to index
      %get3A_163 = arith.index_cast %get3A_161 : i32 to index
      %get3A_164 = arith.constant 0 : index
      %get3A_165 = tpu.vector_load %arg14[%get3A_162, %get3A_163, %get3A_164] {strides = array<i32>} : memref<16x2x16xf32, #tpu.memory_space<vmem>>, vector<1x1x16xf32>,
      %get3A_166 = vector.shape_cast %get3A_165 : vector<1x1x16xf32> to vector<16xf32>
      %add3A_167 = arith.addf %add3A_151, %get3A_166 : vector<16xf32>
      %get3A_168 = arith.constant 6 : i32
      %get3A_169 = arith.constant 1 : i32
      %get3A_170 = arith.index_cast %get3A_168 : i32 to index
      %get3A_171 = arith.index_cast %get3A_169 : i32 to index
      %get3A_172 = arith.constant 0 : index
      %get3A_173 = tpu.vector_load %arg14[%get3A_170, %get3A_171, %get3A_172] {strides = array<i32>} : memref<16x2x16xf32, #tpu.memory_space<vmem>>, vector<1x1x16xf32>,
      %get3A_174 = vector.shape_cast %get3A_173 : vector<1x1x16xf32> to vector<16xf32>
      %add3A_175 = arith.addf %add3A_159, %get3A_174 : vector<16xf32>
      %get3A_176 = arith.constant 7 : i32
      %get3A_177 = arith.constant 0 : i32
      %get3A_178 = arith.index_cast %get3A_176 : i32 to index
      %get3A_179 = arith.index_cast %get3A_177 : i32 to index
      %get3A_180 = arith.constant 0 : index
      %get3A_181 = tpu.vector_load %arg14[%get3A_178, %get3A_179, %get3A_180] {strides = array<i32>} : memref<16x2x16xf32, #tpu.memory_space<vmem>>, vector<1x1x16xf32>,
      %get3A_182 = vector.shape_cast %get3A_181 : vector<1x1x16xf32> to vector<16xf32>
      %add3A_183 = arith.addf %add3A_167, %get3A_182 : vector<16xf32>
      %get3A_184 = arith.constant 7 : i32
      %get3A_185 = arith.constant 1 : i32
      %get3A_186 = arith.index_cast %get3A_184 : i32 to index
      %get3A_187 = arith.index_cast %get3A_185 : i32 to index
      %get3A_188 = arith.constant 0 : index
      %get3A_189 = tpu.vector_load %arg14[%get3A_186, %get3A_187, %get3A_188] {strides = array<i32>} : memref<16x2x16xf32, #tpu.memory_space<vmem>>, vector<1x1x16xf32>,
      %get3A_190 = vector.shape_cast %get3A_189 : vector<1x1x16xf32> to vector<16xf32>
      %add3A_191 = arith.addf %add3A_175, %get3A_190 : vector<16xf32>
      %get3A_192 = arith.constant 8 : i32
      %get3A_193 = arith.constant 0 : i32
      %get3A_194 = arith.index_cast %get3A_192 : i32 to index
      %get3A_195 = arith.index_cast %get3A_193 : i32 to index
      %get3A_196 = arith.constant 0 : index
      %get3A_197 = tpu.vector_load %arg14[%get3A_194, %get3A_195, %get3A_196] {strides = array<i32>} : memref<16x2x16xf32, #tpu.memory_space<vmem>>, vector<1x1x16xf32>,
      %get3A_198 = vector.shape_cast %get3A_197 : vector<1x1x16xf32> to vector<16xf32>
      %add3A_199 = arith.addf %add3A_183, %get3A_198 : vector<16xf32>
      %get3A_200 = arith.constant 8 : i32
      %get3A_201 = arith.constant 1 : i32
      %get3A_202 = arith.index_cast %get3A_200 : i32 to index
      %get3A_203 = arith.index_cast %get3A_201 : i32 to index
      %get3A_204 = arith.constant 0 : index
      %get3A_205 = tpu.vector_load %arg14[%get3A_202, %get3A_203, %get3A_204] {strides = array<i32>} : memref<16x2x16xf32, #tpu.memory_space<vmem>>, vector<1x1x16xf32>,
      %get3A_206 = vector.shape_cast %get3A_205 : vector<1x1x16xf32> to vector<16xf32>
      %add3A_207 = arith.addf %add3A_191, %get3A_206 : vector<16xf32>
      %get3A_208 = arith.constant 9 : i32
      %get3A_209 = arith.constant 0 : i32
      %get3A_210 = arith.index_cast %get3A_208 : i32 to index
      %get3A_211 = arith.index_cast %get3A_209 : i32 to index
      %get3A_212 = arith.constant 0 : index
      %get3A_213 = tpu.vector_load %arg14[%get3A_210, %get3A_211, %get3A_212] {strides = array<i32>} : memref<16x2x16xf32, #tpu.memory_space<vmem>>, vector<1x1x16xf32>,
      %get3A_214 = vector.shape_cast %get3A_213 : vector<1x1x16xf32> to vector<16xf32>
      %add3A_215 = arith.addf %add3A_199, %get3A_214 : vector<16xf32>
      %get3A_216 = arith.constant 9 : i32
      %get3A_217 = arith.constant 1 : i32
      %get3A_218 = arith.index_cast %get3A_216 : i32 to index
      %get3A_219 = arith.index_cast %get3A_217 : i32 to index
      %get3A_220 = arith.constant 0 : index
      %get3A_221 = tpu.vector_load %arg14[%get3A_218, %get3A_219, %get3A_220] {strides = array<i32>} : memref<16x2x16xf32, #tpu.memory_space<vmem>>, vector<1x1x16xf32>,
      %get3A_222 = vector.shape_cast %get3A_221 : vector<1x1x16xf32> to vector<16xf32>
      %add3A_223 = arith.addf %add3A_207, %get3A_222 : vector<16xf32>
      %get3A_224 = arith.constant 10 : i32
      %get3A_225 = arith.constant 0 : i32
      %get3A_226 = arith.index_cast %get3A_224 : i32 to index
      %get3A_227 = arith.index_cast %get3A_225 : i32 to index
      %get3A_228 = arith.constant 0 : index
      %get3A_229 = tpu.vector_load %arg14[%get3A_226, %get3A_227, %get3A_228] {strides = array<i32>} : memref<16x2x16xf32, #tpu.memory_space<vmem>>, vector<1x1x16xf32>,
      %get3A_230 = vector.shape_cast %get3A_229 : vector<1x1x16xf32> to vector<16xf32>
      %add3A_231 = arith.addf %add3A_215, %get3A_230 : vector<16xf32>
      %get3A_232 = arith.constant 10 : i32
      %get3A_233 = arith.constant 1 : i32
      %get3A_234 = arith.index_cast %get3A_232 : i32 to index
      %get3A_235 = arith.index_cast %get3A_233 : i32 to index
      %get3A_236 = arith.constant 0 : index
      %get3A_237 = tpu.vector_load %arg14[%get3A_234, %get3A_235, %get3A_236] {strides = array<i32>} : memref<16x2x16xf32, #tpu.memory_space<vmem>>, vector<1x1x16xf32>,
      %get3A_238 = vector.shape_cast %get3A_237 : vector<1x1x16xf32> to vector<16xf32>
      %add3A_239 = arith.addf %add3A_223, %get3A_238 : vector<16xf32>
      %get3A_240 = arith.constant 11 : i32
      %get3A_241 = arith.constant 0 : i32
      %get3A_242 = arith.index_cast %get3A_240 : i32 to index
      %get3A_243 = arith.index_cast %get3A_241 : i32 to index
      %get3A_244 = arith.constant 0 : index
      %get3A_245 = tpu.vector_load %arg14[%get3A_242, %get3A_243, %get3A_244] {strides = array<i32>} : memref<16x2x16xf32, #tpu.memory_space<vmem>>, vector<1x1x16xf32>,
      %get3A_246 = vector.shape_cast %get3A_245 : vector<1x1x16xf32> to vector<16xf32>
      %add3A_247 = arith.addf %add3A_231, %get3A_246 : vector<16xf32>
      %get3A_248 = arith.constant 11 : i32
      %get3A_249 = arith.constant 1 : i32
      %get3A_250 = arith.index_cast %get3A_248 : i32 to index
      %get3A_251 = arith.index_cast %get3A_249 : i32 to index
      %get3A_252 = arith.constant 0 : index
      %get3A_253 = tpu.vector_load %arg14[%get3A_250, %get3A_251, %get3A_252] {strides = array<i32>} : memref<16x2x16xf32, #tpu.memory_space<vmem>>, vector<1x1x16xf32>,
      %get3A_254 = vector.shape_cast %get3A_253 : vector<1x1x16xf32> to vector<16xf32>
      %add3A_255 = arith.addf %add3A_239, %get3A_254 : vector<16xf32>
      %get3A_256 = arith.constant 12 : i32
      %get3A_257 = arith.constant 0 : i32
      %get3A_258 = arith.index_cast %get3A_256 : i32 to index
      %get3A_259 = arith.index_cast %get3A_257 : i32 to index
      %get3A_260 = arith.constant 0 : index
      %get3A_261 = tpu.vector_load %arg14[%get3A_258, %get3A_259, %get3A_260] {strides = array<i32>} : memref<16x2x16xf32, #tpu.memory_space<vmem>>, vector<1x1x16xf32>,
      %get3A_262 = vector.shape_cast %get3A_261 : vector<1x1x16xf32> to vector<16xf32>
      %add3A_263 = arith.addf %add3A_247, %get3A_262 : vector<16xf32>
      %get3A_264 = arith.constant 12 : i32
      %get3A_265 = arith.constant 1 : i32
      %get3A_266 = arith.index_cast %get3A_264 : i32 to index
      %get3A_267 = arith.index_cast %get3A_265 : i32 to index
      %get3A_268 = arith.constant 0 : index
      %get3A_269 = tpu.vector_load %arg14[%get3A_266, %get3A_267, %get3A_268] {strides = array<i32>} : memref<16x2x16xf32, #tpu.memory_space<vmem>>, vector<1x1x16xf32>,
      %get3A_270 = vector.shape_cast %get3A_269 : vector<1x1x16xf32> to vector<16xf32>
      %add3A_271 = arith.addf %add3A_255, %get3A_270 : vector<16xf32>
      %get3A_272 = arith.constant 13 : i32
      %get3A_273 = arith.constant 0 : i32
      %get3A_274 = arith.index_cast %get3A_272 : i32 to index
      %get3A_275 = arith.index_cast %get3A_273 : i32 to index
      %get3A_276 = arith.constant 0 : index
      %get3A_277 = tpu.vector_load %arg14[%get3A_274, %get3A_275, %get3A_276] {strides = array<i32>} : memref<16x2x16xf32, #tpu.memory_space<vmem>>, vector<1x1x16xf32>,
      %get3A_278 = vector.shape_cast %get3A_277 : vector<1x1x16xf32> to vector<16xf32>
      %add3A_279 = arith.addf %add3A_263, %get3A_278 : vector<16xf32>
      %get3A_280 = arith.constant 13 : i32
      %get3A_281 = arith.constant 1 : i32
      %get3A_282 = arith.index_cast %get3A_280 : i32 to index
      %get3A_283 = arith.index_cast %get3A_281 : i32 to index
      %get3A_284 = arith.constant 0 : index
      %get3A_285 = tpu.vector_load %arg14[%get3A_282, %get3A_283, %get3A_284] {strides = array<i32>} : memref<16x2x16xf32, #tpu.memory_space<vmem>>, vector<1x1x16xf32>,
      %get3A_286 = vector.shape_cast %get3A_285 : vector<1x1x16xf32> to vector<16xf32>
      %add3A_287 = arith.addf %add3A_271, %get3A_286 : vector<16xf32>
      %get3A_288 = arith.constant 14 : i32
      %get3A_289 = arith.constant 0 : i32
      %get3A_290 = arith.index_cast %get3A_288 : i32 to index
      %get3A_291 = arith.index_cast %get3A_289 : i32 to index
      %get3A_292 = arith.constant 0 : index
      %get3A_293 = tpu.vector_load %arg14[%get3A_290, %get3A_291, %get3A_292] {strides = array<i32>} : memref<16x2x16xf32, #tpu.memory_space<vmem>>, vector<1x1x16xf32>,
      %get3A_294 = vector.shape_cast %get3A_293 : vector<1x1x16xf32> to vector<16xf32>
      %add3A_295 = arith.addf %add3A_279, %get3A_294 : vector<16xf32>
      %get3A_296 = arith.constant 14 : i32
      %get3A_297 = arith.constant 1 : i32
      %get3A_298 = arith.index_cast %get3A_296 : i32 to index
      %get3A_299 = arith.index_cast %get3A_297 : i32 to index
      %get3A_300 = arith.constant 0 : index
      %get3A_301 = tpu.vector_load %arg14[%get3A_298, %get3A_299, %get3A_300] {strides = array<i32>} : memref<16x2x16xf32, #tpu.memory_space<vmem>>, vector<1x1x16xf32>,
      %get3A_302 = vector.shape_cast %get3A_301 : vector<1x1x16xf32> to vector<16xf32>
      %add3A_303 = arith.addf %add3A_287, %get3A_302 : vector<16xf32>
      %get3A_304 = arith.constant 15 : i32
      %get3A_305 = arith.constant 0 : i32
      %get3A_306 = arith.index_cast %get3A_304 : i32 to index
      %get3A_307 = arith.index_cast %get3A_305 : i32 to index
      %get3A_308 = arith.constant 0 : index
      %get3A_309 = tpu.vector_load %arg14[%get3A_306, %get3A_307, %get3A_308] {strides = array<i32>} : memref<16x2x16xf32, #tpu.memory_space<vmem>>, vector<1x1x16xf32>,
      %get3A_310 = vector.shape_cast %get3A_309 : vector<1x1x16xf32> to vector<16xf32>
      %add3A_311 = arith.addf %add3A_295, %get3A_310 : vector<16xf32>
      %get3A_312 = arith.constant 15 : i32
      %get3A_313 = arith.constant 1 : i32
      %get3A_314 = arith.index_cast %get3A_312 : i32 to index
      %get3A_315 = arith.index_cast %get3A_313 : i32 to index
      %get3A_316 = arith.constant 0 : index
      %get3A_317 = tpu.vector_load %arg14[%get3A_314, %get3A_315, %get3A_316] {strides = array<i32>} : memref<16x2x16xf32, #tpu.memory_space<vmem>>, vector<1x1x16xf32>,
      %get3A_318 = vector.shape_cast %get3A_317 : vector<1x1x16xf32> to vector<16xf32>
      %add3A_319 = arith.addf %add3A_303, %get3A_318 : vector<16xf32>
      %slice3A = vector.extract_strided_slice %add3A_311 {offsets = [0], sizes = [1], strides = [1]} : vector<16xf32> to vector<1xf32>
      %squeeze3A = vector.extract %slice3A[0] : f32 from vector<1xf32>
      %add3A_320 = arith.constant 0.000000e+00 : f32
      %add3A_321 = arith.addf %add3A_320, %squeeze3A : f32
      %slice3A_322 = vector.extract_strided_slice %add3A_319 {offsets = [0], sizes = [1], strides = [1]} : vector<16xf32> to vector<1xf32>
      %squeeze3A_323 = vector.extract %slice3A_322[0] : f32 from vector<1xf32>
      %add3A_324 = arith.constant 0.000000e+00 : f32
      %add3A_325 = arith.addf %add3A_324, %squeeze3A_323 : f32
      %slice3A_326 = vector.extract_strided_slice %add3A_311 {offsets = [1], sizes = [1], strides = [1]} : vector<16xf32> to vector<1xf32>
      %squeeze3A_327 = vector.extract %slice3A_326[0] : f32 from vector<1xf32>
      %add3A_328 = arith.addf %add3A_321, %squeeze3A_327 : f32
      %slice3A_329 = vector.extract_strided_slice %add3A_319 {offsets = [1], sizes = [1], strides = [1]} : vector<16xf32> to vector<1xf32>
      %squeeze3A_330 = vector.extract %slice3A_329[0] : f32 from vector<1xf32>
      %add3A_331 = arith.addf %add3A_325, %squeeze3A_330 : f32
      %slice3A_332 = vector.extract_strided_slice %add3A_311 {offsets = [2], sizes = [1], strides = [1]} : vector<16xf32> to vector<1xf32>
      %squeeze3A_333 = vector.extract %slice3A_332[0] : f32 from vector<1xf32>
      %add3A_334 = arith.addf %add3A_328, %squeeze3A_333 : f32
      %slice3A_335 = vector.extract_strided_slice %add3A_319 {offsets = [2], sizes = [1], strides = [1]} : vector<16xf32> to vector<1xf32>
      %squeeze3A_336 = vector.extract %slice3A_335[0] : f32 from vector<1xf32>
      %add3A_337 = arith.addf %add3A_331, %squeeze3A_336 : f32
      %slice3A_338 = vector.extract_strided_slice %add3A_311 {offsets = [3], sizes = [1], strides = [1]} : vector<16xf32> to vector<1xf32>
      %squeeze3A_339 = vector.extract %slice3A_338[0] : f32 from vector<1xf32>
      %add3A_340 = arith.addf %add3A_334, %squeeze3A_339 : f32
      %slice3A_341 = vector.extract_strided_slice %add3A_319 {offsets = [3], sizes = [1], strides = [1]} : vector<16xf32> to vector<1xf32>
      %squeeze3A_342 = vector.extract %slice3A_341[0] : f32 from vector<1xf32>
      %add3A_343 = arith.addf %add3A_337, %squeeze3A_342 : f32
      %slice3A_344 = vector.extract_strided_slice %add3A_311 {offsets = [4], sizes = [1], strides = [1]} : vector<16xf32> to vector<1xf32>
      %squeeze3A_345 = vector.extract %slice3A_344[0] : f32 from vector<1xf32>
      %add3A_346 = arith.addf %add3A_340, %squeeze3A_345 : f32
      %slice3A_347 = vector.extract_strided_slice %add3A_319 {offsets = [4], sizes = [1], strides = [1]} : vector<16xf32> to vector<1xf32>
      %squeeze3A_348 = vector.extract %slice3A_347[0] : f32 from vector<1xf32>
      %add3A_349 = arith.addf %add3A_343, %squeeze3A_348 : f32
      %slice3A_350 = vector.extract_strided_slice %add3A_311 {offsets = [5], sizes = [1], strides = [1]} : vector<16xf32> to vector<1xf32>
      %squeeze3A_351 = vector.extract %slice3A_350[0] : f32 from vector<1xf32>
      %add3A_352 = arith.addf %add3A_346, %squeeze3A_351 : f32
      %slice3A_353 = vector.extract_strided_slice %add3A_319 {offsets = [5], sizes = [1], strides = [1]} : vector<16xf32> to vector<1xf32>
      %squeeze3A_354 = vector.extract %slice3A_353[0] : f32 from vector<1xf32>
      %add3A_355 = arith.addf %add3A_349, %squeeze3A_354 : f32
      %slice3A_356 = vector.extract_strided_slice %add3A_311 {offsets = [6], sizes = [1], strides = [1]} : vector<16xf32> to vector<1xf32>
      %squeeze3A_357 = vector.extract %slice3A_356[0] : f32 from vector<1xf32>
      %add3A_358 = arith.addf %add3A_352, %squeeze3A_357 : f32
      %slice3A_359 = vector.extract_strided_slice %add3A_319 {offsets = [6], sizes = [1], strides = [1]} : vector<16xf32> to vector<1xf32>
      %squeeze3A_360 = vector.extract %slice3A_359[0] : f32 from vector<1xf32>
      %add3A_361 = arith.addf %add3A_355, %squeeze3A_360 : f32
      %slice3A_362 = vector.extract_strided_slice %add3A_311 {offsets = [7], sizes = [1], strides = [1]} : vector<16xf32> to vector<1xf32>
      %squeeze3A_363 = vector.extract %slice3A_362[0] : f32 from vector<1xf32>
      %add3A_364 = arith.addf %add3A_358, %squeeze3A_363 : f32
      %slice3A_365 = vector.extract_strided_slice %add3A_319 {offsets = [7], sizes = [1], strides = [1]} : vector<16xf32> to vector<1xf32>
      %squeeze3A_366 = vector.extract %slice3A_365[0] : f32 from vector<1xf32>
      %add3A_367 = arith.addf %add3A_361, %squeeze3A_366 : f32
      %slice3A_368 = vector.extract_strided_slice %add3A_311 {offsets = [8], sizes = [1], strides = [1]} : vector<16xf32> to vector<1xf32>
      %squeeze3A_369 = vector.extract %slice3A_368[0] : f32 from vector<1xf32>
      %add3A_370 = arith.addf %add3A_364, %squeeze3A_369 : f32
      %slice3A_371 = vector.extract_strided_slice %add3A_319 {offsets = [8], sizes = [1], strides = [1]} : vector<16xf32> to vector<1xf32>
      %squeeze3A_372 = vector.extract %slice3A_371[0] : f32 from vector<1xf32>
      %add3A_373 = arith.addf %add3A_367, %squeeze3A_372 : f32
      %slice3A_374 = vector.extract_strided_slice %add3A_311 {offsets = [9], sizes = [1], strides = [1]} : vector<16xf32> to vector<1xf32>
      %squeeze3A_375 = vector.extract %slice3A_374[0] : f32 from vector<1xf32>
      %add3A_376 = arith.addf %add3A_370, %squeeze3A_375 : f32
      %slice3A_377 = vector.extract_strided_slice %add3A_319 {offsets = [9], sizes = [1], strides = [1]} : vector<16xf32> to vector<1xf32>
      %squeeze3A_378 = vector.extract %slice3A_377[0] : f32 from vector<1xf32>
      %add3A_379 = arith.addf %add3A_373, %squeeze3A_378 : f32
      %slice3A_380 = vector.extract_strided_slice %add3A_311 {offsets = [10], sizes = [1], strides = [1]} : vector<16xf32> to vector<1xf32>
      %squeeze3A_381 = vector.extract %slice3A_380[0] : f32 from vector<1xf32>
      %add3A_382 = arith.addf %add3A_376, %squeeze3A_381 : f32
      %slice3A_383 = vector.extract_strided_slice %add3A_319 {offsets = [10], sizes = [1], strides = [1]} : vector<16xf32> to vector<1xf32>
      %squeeze3A_384 = vector.extract %slice3A_383[0] : f32 from vector<1xf32>
      %add3A_385 = arith.addf %add3A_379, %squeeze3A_384 : f32
      %slice3A_386 = vector.extract_strided_slice %add3A_311 {offsets = [11], sizes = [1], strides = [1]} : vector<16xf32> to vector<1xf32>
      %squeeze3A_387 = vector.extract %slice3A_386[0] : f32 from vector<1xf32>
      %add3A_388 = arith.addf %add3A_382, %squeeze3A_387 : f32
      %slice3A_389 = vector.extract_strided_slice %add3A_319 {offsets = [11], sizes = [1], strides = [1]} : vector<16xf32> to vector<1xf32>
      %squeeze3A_390 = vector.extract %slice3A_389[0] : f32 from vector<1xf32>
      %add3A_391 = arith.addf %add3A_385, %squeeze3A_390 : f32
      %slice3A_392 = vector.extract_strided_slice %add3A_311 {offsets = [12], sizes = [1], strides = [1]} : vector<16xf32> to vector<1xf32>
      %squeeze3A_393 = vector.extract %slice3A_392[0] : f32 from vector<1xf32>
      %add3A_394 = arith.addf %add3A_388, %squeeze3A_393 : f32
      %slice3A_395 = vector.extract_strided_slice %add3A_319 {offsets = [12], sizes = [1], strides = [1]} : vector<16xf32> to vector<1xf32>
      %squeeze3A_396 = vector.extract %slice3A_395[0] : f32 from vector<1xf32>
      %add3A_397 = arith.addf %add3A_391, %squeeze3A_396 : f32
      %slice3A_398 = vector.extract_strided_slice %add3A_311 {offsets = [13], sizes = [1], strides = [1]} : vector<16xf32> to vector<1xf32>
      %squeeze3A_399 = vector.extract %slice3A_398[0] : f32 from vector<1xf32>
      %add3A_400 = arith.addf %add3A_394, %squeeze3A_399 : f32
      %slice3A_401 = vector.extract_strided_slice %add3A_319 {offsets = [13], sizes = [1], strides = [1]} : vector<16xf32> to vector<1xf32>
      %squeeze3A_402 = vector.extract %slice3A_401[0] : f32 from vector<1xf32>
      %add3A_403 = arith.addf %add3A_397, %squeeze3A_402 : f32
      %slice3A_404 = vector.extract_strided_slice %add3A_311 {offsets = [14], sizes = [1], strides = [1]} : vector<16xf32> to vector<1xf32>
      %squeeze3A_405 = vector.extract %slice3A_404[0] : f32 from vector<1xf32>
      %add3A_406 = arith.addf %add3A_400, %squeeze3A_405 : f32
      %slice3A_407 = vector.extract_strided_slice %add3A_319 {offsets = [14], sizes = [1], strides = [1]} : vector<16xf32> to vector<1xf32>
      %squeeze3A_408 = vector.extract %slice3A_407[0] : f32 from vector<1xf32>
      %add3A_409 = arith.addf %add3A_403, %squeeze3A_408 : f32
      %slice3A_410 = vector.extract_strided_slice %add3A_311 {offsets = [15], sizes = [1], strides = [1]} : vector<16xf32> to vector<1xf32>
      %squeeze3A_411 = vector.extract %slice3A_410[0] : f32 from vector<1xf32>
      %add3A_412 = arith.addf %add3A_406, %squeeze3A_411 : f32
      %slice3A_413 = vector.extract_strided_slice %add3A_319 {offsets = [15], sizes = [1], strides = [1]} : vector<16xf32> to vector<1xf32>
      %squeeze3A_414 = vector.extract %slice3A_413[0] : f32 from vector<1xf32>
      %add3A_415 = arith.addf %add3A_409, %squeeze3A_414 : f32
      %broadcast_in_dim3A_416 = vector.broadcast %add3A_412 : f32 to vector<16xf32>
      %broadcast_in_dim3A_417 = vector.broadcast %add3A_415 : f32 to vector<16xf32>
      %div3A = arith.constant 1.600000e+01 : f32
      %div3A_418 = vector.broadcast %div3A : f32 to vector<16xf32>
      %div3A_419 = arith.divf %broadcast_in_dim3A_417, %div3A_418 : vector<16xf32>
      %div3A_420 = arith.divf %broadcast_in_dim3A_416, %div3A_419 : vector<16xf32>
      %swap3A_421 = arith.constant 0 : index
      %swap3A_422 = tpu.vector_load %arg15[%swap3A_421] {strides = array<i32>} : memref<16xf32, #tpu.memory_space<vmem>>, vector<16xf32>,
      %swap3A_423 = vector.shape_cast %swap3A_422 : vector<16xf32> to vector<16xf32>
      %swap3A_424 = vector.shape_cast %div3A_420 : vector<16xf32> to vector<16xf32>
      tpu.vector_store %arg15[%swap3A_421], %swap3A_424 {strides = array<i32>} : memref<16xf32, #tpu.memory_space<vmem>>, vector<16xf32>,
      "tpu.region"() ({
        %run_scoped3A_425 = tpu.sem_alloc : memref<!tpu.dma_semaphore, #tpu.memory_space<semaphore_mem>>
        tpu.enqueue_dma source(%arg15 : memref<16xf32, #tpu.memory_space<vmem>>) target(%arg6 : memref<16xf32, #tpu.memory_space<hbm>>) target_semaphore(%run_scoped3A_425 : memref<!tpu.dma_semaphore, #tpu.memory_space<semaphore_mem>>)
        tpu.wait_dma2 semaphore(%run_scoped3A_425 : memref<!tpu.dma_semaphore, #tpu.memory_space<semaphore_mem>>) src(%arg15 : memref<16xf32, #tpu.memory_space<vmem>>) dst(%arg6 : memref<16xf32, #tpu.memory_space<hbm>>)
        tpu.yield
      }) : () -> ()
    } else {
    }
    return
  }
}

module attributes {stable_mosaic.version = 14 : i64} {
  func.func @_argmax_body(%arg0: i32, %arg1: memref<1000x512xf32, #tpu.memory_space<vmem>>, %arg2: memref<1x1x512xi32, #tpu.memory_space<vmem>>, %arg3: memref<1024x16xf32, #tpu.memory_space<vmem>>) attributes {dimension_semantics = [#tpu.dimension_semantics<arbitrary>], iteration_bounds = array<i64: 32>, scalar_prefetch = 0 : i64, scratch_operands = 0 : i64, tpu.core_type = #tpu.core_type<tc>, window_params = [{transform_indices = @transform_0, window_bounds = array<i64: 1000, 512>}, {transform_indices = @transform_1, window_bounds = array<i64: 1, 1, 512>}, {pipeline_mode = #tpu.pipeline_mode<synchronous>, transform_indices = @transform_2, window_bounds = array<i64: 1024, 16>}]} {
    %get3A = arith.constant 0 : index
    %get3A_0 = arith.constant 0 : index
    %get3A_1 = vector.load %arg1[%get3A, %get3A_0] : memref<1000x512xf32, #tpu.memory_space<vmem>>, vector<1000x512xf32>
    %reduce_max3A = arith.constant dense<0xFF800000> : vector<512xf32>
    %reduce_max3A_2 = vector.multi_reduction <maximumf>, %get3A_1, %reduce_max3A [0] : vector<1000x512xf32> to vector<512xf32>
    %broadcast_in_dim3A = vector.shape_cast %reduce_max3A_2 : vector<512xf32> to vector<1x512xf32>
    %iota3A = tpu.iota {dimensions = array<i32: 0>} : vector<1000x512xi32>
    %eq3A = vector.broadcast %broadcast_in_dim3A : vector<1x512xf32> to vector<1000x512xf32>
    %eq3A_3 = arith.cmpf oeq, %get3A_1, %eq3A : vector<1000x512xf32>
    %jit3A = arith.constant 1073741824 : i32
    %broadcast_in_dim3A_4 = vector.broadcast %jit3A : i32 to vector<1000x512xi32>
    %select_n3A = arith.select %eq3A_3, %iota3A, %broadcast_in_dim3A_4 : vector<1000x512xi1>, vector<1000x512xi32>
    %reduce_min3A = arith.constant dense<2147483647> : vector<512xi32>
    %reduce_min3A_5 = vector.multi_reduction <minsi>, %select_n3A, %reduce_min3A [0] : vector<1000x512xi32> to vector<512xi32>
    %reshape3A = vector.shape_cast %reduce_min3A_5 : vector<512xi32> to vector<1x1x512xi32>
    %swap3A = arith.constant 0 : index
    %swap3A_6 = arith.constant 0 : index
    %swap3A_7 = arith.constant 0 : index
    %swap3A_8 = vector.load %arg2[%swap3A, %swap3A_6, %swap3A_7] : memref<1x1x512xi32, #tpu.memory_space<vmem>>, vector<1x1x512xi32>
    tpu.vector_store %arg2[%swap3A, %swap3A_6, %swap3A_7], %reshape3A {strides = array<i32>} : memref<1x1x512xi32, #tpu.memory_space<vmem>>, vector<1x1x512xi32>,
    %iota3A_9 = tpu.iota {dimensions = array<i32: 0>} : vector<1024x512xi32>
    %broadcast_in_dim3A_10 = vector.shape_cast %reduce_min3A_5 : vector<512xi32> to vector<1x512xi32>
    %eq3A_11 = vector.broadcast %broadcast_in_dim3A_10 : vector<1x512xi32> to vector<1024x512xi32>
    %eq3A_12 = arith.cmpi eq, %iota3A_9, %eq3A_11 : vector<1024x512xi32>
    %convert_element_type3A = arith.extui %eq3A_12 : vector<1024x512xi1> to vector<1024x512xi32>
    %convert_element_type3A_13 = arith.sitofp %convert_element_type3A : vector<1024x512xi32> to vector<1024x512xf32>
    %broadcast_in_dim3A_14 = arith.constant 1.000000e+00 : f32
    %broadcast_in_dim3A_15 = vector.broadcast %broadcast_in_dim3A_14 : f32 to vector<512x16xf32>
    %dot_general3A = arith.constant dense<0.000000e+00> : vector<1024x16xf32>
    %dot_general3A_16 = tpu.matmul %convert_element_type3A_13, %broadcast_in_dim3A_15, %dot_general3A {dimension_numbers = #tpu.dot_dimension_numbers<[1], [0], [0], [1], [0, 0, 1, 1], [], []>, transpose_lhs_hint = false} : vector<1024x512xf32>, vector<512x16xf32>, vector<1024x16xf32> -> vector<1024x16xf32>
    %eq3A_17 = arith.constant 0 : i32
    %eq3A_18 = arith.cmpi eq, %arg0, %eq3A_17 : i32
    %convert_element_type3A_19 = arith.extui %eq3A_18 : i1 to i32
    %cond3A = arith.constant 0 : i32
    %cond3A_20 = arith.cmpi ne, %convert_element_type3A_19, %cond3A : i32
    scf.if %cond3A_20 {
      %broadcast_in_dim3A_27 = arith.constant 0.000000e+00 : f32
      %broadcast_in_dim3A_28 = vector.broadcast %broadcast_in_dim3A_27 : f32 to vector<1024x16xf32>
      %swap3A_29 = arith.constant 0 : index
      %swap3A_30 = arith.constant 0 : index
      %swap3A_31 = vector.load %arg3[%swap3A_29, %swap3A_30] : memref<1024x16xf32, #tpu.memory_space<vmem>>, vector<1024x16xf32>
      tpu.vector_store %arg3[%swap3A_29, %swap3A_30], %broadcast_in_dim3A_28 {strides = array<i32>} : memref<1024x16xf32, #tpu.memory_space<vmem>>, vector<1024x16xf32>,
    } else {
    }
    %get3A_21 = arith.constant 0 : index
    %get3A_22 = arith.constant 0 : index
    %get3A_23 = vector.load %arg3[%get3A_21, %get3A_22] : memref<1024x16xf32, #tpu.memory_space<vmem>>, vector<1024x16xf32>
    %add3A = arith.addf %get3A_23, %dot_general3A_16 : vector<1024x16xf32>
    %swap3A_24 = arith.constant 0 : index
    %swap3A_25 = arith.constant 0 : index
    %swap3A_26 = vector.load %arg3[%swap3A_24, %swap3A_25] : memref<1024x16xf32, #tpu.memory_space<vmem>>, vector<1024x16xf32>
    tpu.vector_store %arg3[%swap3A_24, %swap3A_25], %add3A {strides = array<i32>} : memref<1024x16xf32, #tpu.memory_space<vmem>>, vector<1024x16xf32>,
    return
  }
  func.func @transform_0(%arg0: i32) -> (i32, i32) {
    %c0_i32 = arith.constant 0 : i32
    %c0_i32_0 = arith.constant 0 : i32
    return %c0_i32, %arg0 : i32, i32
  }
  func.func @transform_1(%arg0: i32) -> (i32, i32, i32) {
    %c0_i32 = arith.constant 0 : i32
    %c0_i32_0 = arith.constant 0 : i32
    %c0_i32_1 = arith.constant 0 : i32
    return %arg0, %c0_i32, %c0_i32_0 : i32, i32, i32
  }
  func.func @transform_2(%arg0: i32) -> (i32, i32) {
    %c0_i32 = arith.constant 0 : i32
    %c0_i32_0 = arith.constant 0 : i32
    %c0_i32_1 = arith.constant 0 : i32
    return %c0_i32, %c0_i32_0 : i32, i32
  }
}

</mosaic_0001>

<sc_bundles>
// kernel: kernel.4.cloned.1.call-start
scs
__scs_entry_jumppad:
0x0: {  	(pc) =	sbr.rel $0x88, $3  }
0x1: {  	(tag) =	ssettag $0x0;
	lr =	simm.s32 $0x1  }
0x2: {  	[smem:$0x3F9E] =	sst lr;
	_ =	strace $0xD0000000  }
0x3: {  	_ = 	snop  }
0x4: {  	_ = 	snop  }
0x5: {  	_ = 	snop  }
0x6: {  	_ = 	snop  }
0x7: {  	_ = 	snop  }
__scs_overlays_trampoline_lowered:
0x8: {  	[smem:$0x3FAD] =	sst s0  }
0x9: {  	[smem:$0x3FAE] =	sst s1  }
0xa: {  	[smem:$0x3FAF] =	sst s2  }
0xb: {  	[smem:$0x3FB0] =	sst s3  }
0xc: {  	[smem:$0x3FB1] =	sst s4  }
0xd: {  	[smem:$0x3FB2] =	sst s5  }
0xe: {  	[smem:$0x3FB3] =	sst s6  }
0xf: {  	[smem:$0x3FB4] =	sst s7  }
0x10: {  	[smem:$0x3FB5] =	sst s8  }
0x11: {  	[smem:$0x3FB6] =	sst s9;
	s0 =	simm.s32 @!p0 $0x0  }
0x12: {  	s1 =	sld [smem:$0x3F9C];
	s0 =	simm.s32 @p0 $0x1  }
0x13: {  	[smem:$0x3FB7] =	sst s0;
	s0 =	simm.s32 @!p1 $0x0  }
0x14: {  	s2 =	sld [smem:$0x3F9B];
	s0 =	simm.s32 @p1 $0x1  }
0x15: {  	[smem:$0x3FB8] =	sst s0;
	s0 =	simm.s32 @!p2 $0x0  }
0x16: {  	s3 =	sld [smem:$0x3FDB];
	s0 =	simm.s32 @p2 $0x1  }
0x17: {  	s4 =	simm.s32 $0x1BF5;
	[smem:$0x3FBA] =	sst s0  }
0x18: {  	s0 =	sld [smem:$0x3F9D];
	_ =	swait.ge [sflag:s4], $0x0  }
0x19: {  	s7 =	sld [smem:$0x3F9E]  }
0x1a: {  	s8 =	sadd.s32 $0xFFFFE003, lr  }
0x1b: {  	s9 =	sadd.s32 $0xFFFFFEF7, lr;
	s5 =	simm.s32 $0xFFFFFFFF;
	p2 =	slt.u32 s8, $0xFFFFF086  }
0x1c: {  	p1 =	slt.u32 s9, $0xF7A;
	s5 =	simm.s32 @!p2 $0x0  }
0x1d: {  	s5 =	simm.s32 @p1 $0x1;
	p0 =	seq.s32 s7, s2  }
0x1e: {  	s7 =	smul.u32 @!p0 $0xF7A, s2;
	p2 =	seq.s32 @!p0 s5, $0x0  }
0x1f: {  	s9 =	smul.u32 $0xF7A, s1;
	s8 =	simm.s32 @!p0 $0x1BF5;
	p2 =	por !p2, p0  }
0x20: {  	[sflag:s8] =	ssyncset.s32 @!p0 $0xFFFFF086;
	s6 =	sadd.s32 @!p0 s3, s7;
	s7 =	simm.s32 @!p0 $0x108  }
0x21: {  	s3 =	sadd.s32 s3, s9;
	s6 =	sadd.s32 @!p0 $0x88, s6;
	s7 =	simm.s32 @p2 $0x1082  }
0x22: {  	[simem:s7], [sflag:s8] =	dma.local @!p0 [hbm:s6], $0xF7A  }
0x23: {  	s9 =	sor.u32 $0xD0000000, s2;
	s6 =	simm.s32 $0x108;
	_ =	swait.ge @!p0 [sflag:s8], $0x0  }
0x24: {  	s3 =	sadd.s32 $0x88, s3;
	s6 =	simm.s32 @!p1 $0x1082;
	[sflag:s4] =	ssyncset.s32 $0xFFFFF086  }
0x25: {  	[simem:s6], [sflag:s4] =	dma.local [hbm:s3], $0xF7A  }
0x26: {  	[smem:$0x3F9E] =	sst s1;
	(tag) =	ssettag s2;
	_ =	strace s9  }
0x27: {  	s1 =	sld [smem:$0x3FAE]  }
0x28: {  	s2 =	sld [smem:$0x3FAF]  }
0x29: {  	s4 =	sld [smem:$0x3FB1]  }
0x2a: {  	p0 =	seq.s32 s5, $0x0;
	s5 =	sld [smem:$0x3FB2]  }
0x2b: {  	s6 =	sld [smem:$0x3FB3]  }
0x2c: {  	s7 =	sld [smem:$0x3FB4]  }
0x2d: {  	s3 =	simm.s32 $0x108;
	s8 =	sld [smem:$0x3FB5]  }
0x2e: {  	s3 =	simm.s32 @!p0 $0x1082;
	s9 =	sld [smem:$0x3FB6]  }
0x2f: {  	lr =	sadd.s32 s0, s3;
	s0 =	sld [smem:$0x3FAD]  }
0x30: {  	s3 =	sld [smem:$0x3FB0]  }
0x31: {  	[smem:$0x3FB9] =	sst s10  }
0x32: {  	s10 =	sld [smem:$0x3FB7];
	_ =	sdelay $0x3  }
0x33: {  	p0 =	seq.s32 s10, $0x1;
	s10 =	sld [smem:$0x3FB9];
	_ =	sdelay $0x3  }
0x34: {  	[smem:$0x3FB9] =	sst s10  }
0x35: {  	s10 =	sld [smem:$0x3FB8];
	_ =	sdelay $0x3  }
0x36: {  	p1 =	seq.s32 s10, $0x1;
	s10 =	sld [smem:$0x3FB9];
	_ =	sdelay $0x3  }
0x37: {  	[smem:$0x3FB9] =	sst s10  }
0x38: {  	s10 =	sld [smem:$0x3FBA]  }
0x39: {  	_ = 	snop;
	(pc) =	sbr.ind lr, $3  }
0x3a: {  	_ = 	snop  }
0x3b: {  	_ = 	snop  }
0x3c: {  	p2 =	seq.s32 s10, $0x1;
	s10 =	sld [smem:$0x3FB9]  }
0x3d: {  	_ =	shalt  }
0x3e: {  	_ =	shalt  }
0x3f: {  	_ =	shalt  }
0x40: {  	_ =	shalt  }
0x41: {  	_ =	shalt  }
0x42: {  	_ =	shalt  }
0x43: {  	_ =	shalt  }
0x44: {  	_ =	shalt  }
0x45: {  	_ =	shalt  }
0x46: {  	_ =	shalt  }
0x47: {  	_ =	shalt  }
0x48: {  	_ =	shalt  }
0x49: {  	_ =	shalt  }
0x4a: {  	_ =	shalt  }
0x4b: {  	_ =	shalt  }
0x4c: {  	_ =	shalt  }
0x4d: {  	_ =	shalt  }
0x4e: {  	_ =	shalt  }
0x4f: {  	_ =	shalt  }
0x50: {  	_ =	shalt  }
0x51: {  	_ =	shalt  }
0x52: {  	_ =	shalt  }
0x53: {  	_ =	shalt  }
0x54: {  	_ =	shalt  }
0x55: {  	_ =	shalt  }
0x56: {  	_ =	shalt  }
0x57: {  	_ =	shalt  }
0x58: {  	_ =	shalt  }
0x59: {  	_ =	shalt  }
0x5a: {  	_ =	shalt  }
0x5b: {  	_ =	shalt  }
0x5c: {  	_ =	shalt  }
0x5d: {  	_ =	shalt  }
0x5e: {  	_ =	shalt  }
0x5f: {  	_ =	shalt  }
0x60: {  	_ =	shalt  }
0x61: {  	_ =	shalt  }
0x62: {  	_ =	shalt  }
0x63: {  	_ =	shalt  }
0x64: {  	_ =	shalt  }
0x65: {  	_ =	shalt  }
0x66: {  	_ =	shalt  }
0x67: {  	_ =	shalt  }
0x68: {  	_ =	shalt  }
0x69: {  	_ =	shalt  }
0x6a: {  	_ =	shalt  }
0x6b: {  	_ =	shalt  }
0x6c: {  	_ =	shalt  }
0x6d: {  	_ =	shalt  }
0x6e: {  	_ =	shalt  }
0x6f: {  	_ =	shalt  }
0x70: {  	_ =	shalt  }
0x71: {  	_ =	shalt  }
0x72: {  	_ =	shalt  }
0x73: {  	_ =	shalt  }
0x74: {  	_ =	shalt  }
0x75: {  	_ =	shalt  }
0x76: {  	_ =	shalt  }
0x77: {  	_ =	shalt  }
0x78: {  	_ =	shalt  }
0x79: {  	_ =	shalt  }
0x7a: {  	_ =	shalt  }
0x7b: {  	_ =	shalt  }
0x7c: {  	_ =	shalt  }
0x7d: {  	_ =	shalt  }
0x7e: {  	_ =	shalt  }
0x7f: {  	_ =	shalt  }
0x80: {  	_ =	shalt  }
0x81: {  	_ =	shalt  }
0x82: {  	_ =	shalt  }
0x83: {  	_ =	shalt  }
0x84: {  	_ =	shalt  }
0x85: {  	_ =	shalt  }
0x86: {  	_ =	shalt  }
0x87: {  	_ =	shalt  }
.Lfunc_end0:
.L_simem_size_0:
called_computation_lowered:
.L_overlay_start_0:
0x88: {  	s0 =	sld [smem:$0x3FD9]  }
0x89: {  	s1 =	sld [smem:$0x3FFE];
	_ =	sdelay $0x3  }
0x8a: {  	s0 =	sadd.s32 s1, s0  }
0x8b: {  	[smem:$0x3FC5] =	sst s0  }
0x8c: {  	_ = 	snop  }
0x8d: {  	s0 =	sld [smem:$0x3FC8]  }
0x8e: {  	s16 =	sld [smem:$0x3FD0];
	(tm) =	ssettm $0x1  }
0x8f: {  	s2 =	sld [smem:$0x3FFB];
	_ =	sdelay $0x3  }
0x90: {  	_ =	strace s2  }
0x91: {  	s2 =	sld [smem:$0x3FFC];
	_ =	sdelay $0x3  }
0x92: {  	_ =	strace s2  }
0x93: {  	s2 =	sld [smem:$0x3FFD];
	_ =	sdelay $0x3  }
0x94: {  	_ =	strace s2  }
0x95: {  	_ =	strace $0x8FFFFFFF  }
0x96: {  	s17 =	sld [smem:$0x3FDB];
	_ =	sdelay $0x1  }
0x97: {  	s3 =	simm.s32 $_scs_section_size  }
0x98: {  	s4 =	simm.s32 $_size__tile_overlayer_lowered;
	s5 =	simm.s32 $_tile_overlayer_lowered  }
0x99: {  	s20 =	simm.s32 $0x1BFF;
	s19 =	sshll.u32 s5, $0x1;
	s2 =	sadd.s32 s3, s17  }
0x9a: {  	s6 =	simm.s32 $0x0;
	s18 =	sshll.u32 s4, $0x1;
	s4 =	sadd.s32 s19, s2  }
0x9b: {  	[timem:s6], [sflag:s20] =	dma.local [hbm:s4], s18  }
0x9c: {  	_ =	swait.ge [sflag:s20], s18  }
0x9d: {  	s3 =	ssub.s32 $0x0, s18;
	[sflag:s20] =	ssyncset.done $0x0  }
0x9e: {  	[sflag:s20] =	ssyncadd.s32 s3;
	_ =	sdelay $0x1  }
0x9f: {  	s21 =	simm.s32 $0x1B8B  }
0xa0: {  	_ =	swait.ge [sflag:s21], $0x1  }
0xa1: {  	[sflag:s21] =	ssyncset.done $0x0  }
0xa2: {  	s23 =	simm.s32 $0x1B8E;
	s22 =	sld [smem:$0x3FFE];
	[sflag:s21] =	ssyncadd.s32 $0xFFFFFFFF  }
0xa3: {  	s24 =	simm.s32 $execute0_lowered;
	[smem:$0x3FD2] =	sst s23  }
0xa4: {  	s4 =	sshll.u32 s24, $0x1;
	_ =	strace $0x80000046;
	[dreg:$0x1] =	wrdreg $0xFFFFFFFF  }
0xa5: {  	s25 =	simm.s32 $_size_execute0_lowered;
	s2 =	sadd.s32 s2, s4;
	[dreg:$0x0] =	wrdreg $0x0  }
0xa6: {  	s4 =	sshll.u32 s25, $0x1;
	[dreg:$0x2] =	wrdreg s2  }
0xa7: {  	[dreg:$0x3] =	wrdreg s4  }
0xa8: {  	[dreg:$0x4] =	wrdreg $0xC0  }
0xa9: {  	_ =	task [dreg:s6], $0x5FFFF  }
0xaa: {  	[dreg:$0x1] =	wrdreg $0xFFFFFFFF  }
0xab: {  	[dreg:$0x0] =	wrdreg $0x60  }
0xac: {  	[dreg:$0x2] =	wrdreg s22  }
0xad: {  	[dreg:$0x3] =	wrdreg s0  }
0xae: {  	[dreg:$0x4] =	wrdreg s16  }
0xaf: {  	[dreg:$0x5] =	wrdreg $0xF5800  }
0xb0: {  	[dreg:$0x6] =	wrdreg $0x9  }
0xb1: {  	_ =	task.clear_ibuf [dreg:s6], $0x7FFFF;
	_ =	strace $0x90000046  }
0xb2: {  	s26 =	simm.s32 $0x9;
	_ =	strace $0x80000048  }
0xb3: {  	_ =	swait.ge [sflag:s26], $0x1  }
0xb4: {  	[sflag:s26] =	ssyncadd.s32 $0xFFFFFFFF  }
0xb5: {  	_ =	strace $0x90000048  }
0xb6: {  	_ =	sfence  }
0xb7: {  	s28 =	sld [smem:$0x0];
	_ =	sdelay $0x1  }
0xb8: {  	s29 =	srdreg.scid  }
0xb9: {  	s30 =	sshll.u32 s29, $0xD;
	s31 =	sshrl.u32 s29, $0x2  }
0xba: {  	s1 =	sand.u32 $0x1, s29;
	s2 =	sand.u32 $0x4000, s30;
	s0 =	sadd.s32 s31, s28  }
0xbb: {  	s1 =	sor.u32 s2, s1;
	s0 =	sshll.u32 s0, $0x11  }
0xbc: {  	s0 =	sor.u32 s0, s1  }
0xbd: {  	s0 =	sadd.s32 $0x8F2B, s0  }
0xbe: {  	[sflag:s0] =	ssyncadd.remote.s32 $0x1  }
0xbf: {  	_ =	sfence.sel $0xFFFF  }
0xc0: {  	[dreg:$0x0] =	wrdreg $0xFFFFFFFF;
	(pc) =	sbr.abs _section_cstart, $3  }
0xc1: {  	[dreg:$0x1] =	wrdreg $0xFFFFFFFF  }
0xc2: {  	_ =	task.clear_ibuf [dreg:s6], $0x2FFFF;
	_ =	strace $0x9FFFFFFF  }
0xc3: {  	(tm) =	ssettm $0x7FFFFFFF  }
tec
execute0_lowered:
.L_overlay_start_1:
0x0: {  	(tag) =	ssettag $0x1  }
0x1: {  	s2 =	rddreg [dreg:$0x0]  }
0x2: {  	s11 =	rddreg [dreg:$0x1]  }
0x3: {  	s1 =	rddreg [dreg:$0x2]  }
0x4: {  	s6 =	rddreg [dreg:$0x3]  }
0x5: {  	s0 =	rddreg [dreg:$0x4];
	s3 =	simm.s32 $0x0  }
0x6: {  	s7 =	simm.s32 $0x0;
	s9 =	simm.s32 $0x200;
	[smem:$0x7FF] =	sst s3  }
0x7: {  	s8 =	sadd.s32 $0x5000, s2;
	s5 =	sadd.s32 $0x1000, s2;
	s4 =	sadd.s32 $0x5800, s2  }
0x8: {  	v0 =	vimm.f32 $0.0e+00;
	s2 =	sadd.s32 $0x9800, s2;
	s3 =	stileid.u32;
	_ =	strace $0x80000047  }
.LBB2_1:
0x9: {  	p0 =	sne.s32 s9, $0x7E00;
	[tilespmem:s7+$0x8470] =	vst v0  }
0xa: {  	[tilespmem:s7+$0x8400] =	vst v0  }
0xb: {  	[tilespmem:s7+$0x8410] =	vst v0  }
.Ltmp0:
0xc: {  	[tilespmem:s7+$0x8420] =	vst v0;
	(pc) =	sbr.rel @p0 .LBB2_1-.Ltmp0, $4  }
0xd: {  	[tilespmem:s7+$0x8430] =	vst v0  }
0xe: {  	[tilespmem:s7+$0x8440] =	vst v0  }
0xf: {  	[tilespmem:s7+$0x8450] =	vst v0  }
0x10: {  	[tilespmem:s7+$0x8460] =	vst v0;
	s7 =	sshra.s32 s9, $0x2;
	s9 =	sadd.s32 $0x200, s9  }
0x11: {  	[tilespmem:s7+$0x8470] =	vst v0  }
0x12: {  	[tilespmem:s7+$0x8400] =	vst v0  }
0x13: {  	[tilespmem:s7+$0x8410] =	vst v0  }
0x14: {  	[tilespmem:s7+$0x8420] =	vst v0  }
0x15: {  	[tilespmem:s7+$0x8430] =	vst v0  }
0x16: {  	[tilespmem:s7+$0x8440] =	vst v0  }
0x17: {  	[tilespmem:s7+$0x8450] =	vst v0;
	s9 =	sshll.u32 s3, $0xD  }
0x18: {  	[tilespmem:s7+$0x8460] =	vst v0;
	s10 =	simm.s32 $0x8400;
	s16 =	simm.s32 $0x1;
	s9 =	sadd.s32 s9, s6  }
0x19: {  	[spmem:s9] =	stream.linear.scatter [tilespmem:s10], [sflag:$0x1], $0x2000, $0x38;
	[tilespmem:$0x11580] =	vst v63  }
0x1a: {  	_ =	swait.ge [sflag:s16], $0x2000  }
0x1b: {  	s12 =	sshll.u32 s3, $0x7;
	[sflag:s16] =	ssyncset.done $0x0  }
0x1c: {  	s17 =	simm.s32 $0x0;
	s12 =	sadd.s32 s8, s12;
	[sflag:s16] =	ssyncadd.s32 $0xFFFFE000  }
0x1d: {  	[tilespmem:s17], [sflag:$0x1] =	stream.linear.gather [hbm4b:s12+s17], $0x400, $0x38;
	[tilespmem:$0x11580] =	vst v63  }
0x1e: {  	_ =	swait.ge [sflag:s16], $0x400  }
0x1f: {  	[sflag:s16] =	ssyncset.done $0x0  }
0x20: {  	s18 =	sshll.u32 s3, $0xE;
	[sflag:s16] =	ssyncadd.s32 $0xFFFFFC00  }
0x21: {  	s19 =	simm.s32 $0x400;
	s11 =	sadd.s32 s11, s18;
	[bflag:$0x0] =	sbarrier.arrive $0xFFFF  }
0x22: {  	[tilespmem:s19], [sflag:$0x1] =	stream.linear.gather [hbm4b:s11+s17], $0x8000, $0x38;
	[tilespmem:$0x11580] =	vst v63  }
0x23: {  	_ =	swait.ge [sflag:s16], $0x8000  }
0x24: {  	[sflag:s16] =	ssyncset.done $0x0  }
0x25: {  	s13 =	simm.s32 $0x80;
	[sflag:s16] =	ssyncadd.s32 $0xFFFF8000  }
0x26: {  	[spmem:s6] =	stream.indirect.scatter.add.f32 [tilespmem:s19], [sflag:$0x1], $0x80, s17, s13, $0xb8;
	[tilespmem:$0x11580] =	vst v63  }
0x27: {  	_ =	swait.ge [sflag:s16], $0x4000  }
0x28: {  	[sflag:s16] =	ssyncset.done $0x0  }
0x29: {  	s14 =	simm.s32 $0x4400;
	[sflag:s16] =	ssyncadd.s32 $0xFFFFC000  }
0x2a: {  	[spmem:s6] =	stream.indirect.scatter.add.f32 [tilespmem:s14], [sflag:$0x1], $0x80, s13, s13, $0xb8;
	[tilespmem:$0x11580] =	vst v63  }
0x2b: {  	_ =	swait.ge [sflag:s16], $0x4000  }
0x2c: {  	[sflag:s16] =	ssyncset.done $0x0  }
0x2d: {  	s15 =	sadd.s32 $0x1000, s11;
	[sflag:s16] =	ssyncadd.s32 $0xFFFFC000  }
0x2e: {  	[tilespmem:s19], [sflag:$0x1] =	stream.linear.gather [hbm4b:s15+s17], $0x8000, $0x38;
	[tilespmem:$0x11580] =	vst v63  }
0x2f: {  	_ =	swait.ge [sflag:s16], $0x8000  }
0x30: {  	[sflag:s16] =	ssyncset.done $0x0  }
0x31: {  	s20 =	simm.s32 $0x100;
	[sflag:s16] =	ssyncadd.s32 $0xFFFF8000  }
0x32: {  	[spmem:s6] =	stream.indirect.scatter.add.f32 [tilespmem:s19], [sflag:$0x1], $0x80, s20, s13, $0xb8;
	[tilespmem:$0x11580] =	vst v63  }
0x33: {  	_ =	swait.ge [sflag:s16], $0x4000  }
0x34: {  	[sflag:s16] =	ssyncset.done $0x0  }
0x35: {  	s21 =	simm.s32 $0x180;
	[sflag:s16] =	ssyncadd.s32 $0xFFFFC000  }
0x36: {  	[spmem:s6] =	stream.indirect.scatter.add.f32 [tilespmem:s14], [sflag:$0x1], $0x80, s21, s13, $0xb8;
	[tilespmem:$0x11580] =	vst v63  }
0x37: {  	_ =	swait.ge [sflag:s16], $0x4000  }
0x38: {  	[sflag:s16] =	ssyncset.done $0x0  }
0x39: {  	s22 =	sadd.s32 $0x2000, s11;
	[sflag:s16] =	ssyncadd.s32 $0xFFFFC000  }
0x3a: {  	[tilespmem:s19], [sflag:$0x1] =	stream.linear.gather [hbm4b:s22+s17], $0x8000, $0x38;
	[tilespmem:$0x11580] =	vst v63  }
0x3b: {  	_ =	swait.ge [sflag:s16], $0x8000  }
0x3c: {  	[sflag:s16] =	ssyncset.done $0x0  }
0x3d: {  	s23 =	simm.s32 $0x200;
	[sflag:s16] =	ssyncadd.s32 $0xFFFF8000  }
0x3e: {  	[spmem:s6] =	stream.indirect.scatter.add.f32 [tilespmem:s19], [sflag:$0x1], $0x80, s23, s13, $0xb8;
	[tilespmem:$0x11580] =	vst v63  }
0x3f: {  	_ =	swait.ge [sflag:s16], $0x4000  }
0x40: {  	[sflag:s16] =	ssyncset.done $0x0  }
0x41: {  	s24 =	simm.s32 $0x280;
	[sflag:s16] =	ssyncadd.s32 $0xFFFFC000  }
0x42: {  	[spmem:s6] =	stream.indirect.scatter.add.f32 [tilespmem:s14], [sflag:$0x1], $0x80, s24, s13, $0xb8;
	[tilespmem:$0x11580] =	vst v63  }
0x43: {  	_ =	swait.ge [sflag:s16], $0x4000  }
0x44: {  	[sflag:s16] =	ssyncset.done $0x0  }
0x45: {  	s11 =	sadd.s32 $0x3000, s11;
	[sflag:s16] =	ssyncadd.s32 $0xFFFFC000  }
0x46: {  	[tilespmem:s19], [sflag:$0x1] =	stream.linear.gather [hbm4b:s11+s17], $0x8000, $0x38;
	[tilespmem:$0x11580] =	vst v63  }
0x47: {  	_ =	swait.ge [sflag:s16], $0x8000  }
0x48: {  	[sflag:s16] =	ssyncset.done $0x0  }
0x49: {  	s25 =	simm.s32 $0x300;
	[sflag:s16] =	ssyncadd.s32 $0xFFFF8000  }
0x4a: {  	[spmem:s6] =	stream.indirect.scatter.add.f32 [tilespmem:s19], [sflag:$0x1], $0x80, s25, s13, $0xb8;
	[tilespmem:$0x11580] =	vst v63  }
0x4b: {  	_ =	swait.ge [sflag:s16], $0x4000  }
0x4c: {  	[sflag:s16] =	ssyncset.done $0x0  }
0x4d: {  	s26 =	simm.s32 $0x380;
	[sflag:s16] =	ssyncadd.s32 $0xFFFFC000  }
0x4e: {  	[spmem:s6] =	stream.indirect.scatter.add.f32 [tilespmem:s14], [sflag:$0x1], $0x80, s26, s13, $0xb8;
	[tilespmem:$0x11580] =	vst v63  }
0x4f: {  	_ =	swait.ge [sflag:s16], $0x4000  }
0x50: {  	[sflag:s16] =	ssyncset.done $0x0  }
0x51: {  	[sflag:s16] =	ssyncadd.s32 $0xFFFFC000  }
0x52: {  	[bflag:$0x0] =	sbarrier.arrive $0xFFFF  }
0x53: {  	[tilespmem:s10], [sflag:$0x1] =	stream.linear.gather [spmem:s9], $0x2000, $0x38;
	[tilespmem:$0x11580] =	vst v63  }
0x54: {  	_ =	swait.ge [sflag:s16], $0x2000  }
0x55: {  	s28 =	sshll.u32 s3, $0xA;
	[sflag:s16] =	ssyncset.done $0x0  }
0x56: {  	s29 =	simm.s32 $0xA400;
	s5 =	sadd.s32 s5, s28;
	[sflag:s16] =	ssyncadd.s32 $0xFFFFE000  }
0x57: {  	[tilespmem:s29], [sflag:$0x1] =	stream.linear.gather [hbm4b:s5+s17], $0x2000, $0x38;
	[tilespmem:$0x11580] =	vst v63  }
0x58: {  	_ =	swait.ge [sflag:s16], $0x2000  }
0x59: {  	[sflag:s16] =	ssyncset.done $0x0  }
0x5a: {  	s30 =	simm.s32 $0xC400;
	s4 =	sadd.s32 s4, s28;
	[sflag:s16] =	ssyncadd.s32 $0xFFFFE000  }
0x5b: {  	[tilespmem:s30], [sflag:$0x1] =	stream.linear.gather [hbm4b:s4+s17], $0x2000, $0x38;
	[tilespmem:$0x11580] =	vst v63  }
0x5c: {  	_ =	swait.ge [sflag:s16], $0x2000  }
0x5d: {  	[sflag:s16] =	ssyncset.done $0x0  }
0x5e: {  	s31 =	simm.s32 $0x0;
	[sflag:s16] =	ssyncadd.s32 $0xFFFFE000  }
0x5f: {  	v1 =	vld [tilespmem:s31+$0x8440]  }
0x60: {  	v0 =	vld [tilespmem:s31+$0x8400]  }
0x61: {  	v2 =	vld [tilespmem:s31+$0xC400]  }
0x62: {  	v3 =	vld [tilespmem:s31+$0x8410]  }
0x63: {  	v4 =	vld [tilespmem:s31+$0xC410]  }
0x64: {  	v5 =	vld [tilespmem:s31+$0x8420]  }
0x65: {  	v6 =	vld [tilespmem:s31+$0xC420]  }
0x66: {  	v7 =	vld [tilespmem:s31+$0xC430];
	v0 =	vmul.f32 v2, v0  }
0x67: {  	v2 =	vld [tilespmem:s31+$0x8430]  }
0x68: {  	v3 =	vmul.f32 v4, v3;
	v4 =	vld [tilespmem:s31+$0xC440];
	v8 =	vadd.f32 $0.0e+00, v0  }
0x69: {  	v0 =	vld [tilespmem:s31+$0xA400]  }
0x6a: {  	v5 =	vmul.f32 v6, v5;
	v3 =	vadd.f32 v3, v8  }
0x6b: {  	v10 =	vld [tilespmem:s31+$0x8450]  }
0x6c: {  	v11 =	vld [tilespmem:s31+$0xC450];
	v2 =	vmul.f32 v7, v2;
	v3 =	vadd.f32 v5, v3  }
0x6d: {  	v7 =	vld [tilespmem:s31+$0xC460]  }
0x6e: {  	v5 =	vld [tilespmem:s31+$0x8460];
	v2 =	vadd.f32 v2, v3;
	v3 =	vmul.f32 v4, v1;
	v4 =	vmax.f32 v0, $1.000000000e+00  }
0x6f: {  	v6 =	vld [tilespmem:s31+$0x8470];
	(erf) = vrcp.f32 v4  }
0x70: {  	s4 =	simm.s32 $0x80;
	v8 =	vld [tilespmem:s31+$0xC470]  }
0x71: {  	v10 =	vmul.f32 v11, v10;
	v11 =	vld [tilespmem:s4+$0x8400];
	v9 =	vadd.f32 v3, v2  }
0x72: {  	s5 =	simm.s32 $0x400;
	v1 =	vimm.f32 $0.0e+00;
	v4 =	vld [tilespmem:s4+$0x8440];
	v3 =	vimm.f32 $0.0e+00;
	v2 =	vimm.f32 $0.0e+00  }
.LBB2_3:
0x73: {  	p0 =	sne.s32 s5, $0x7E00;
	v12 =	vld [tilespmem:s4+$0xC400];
	v9 =	vadd.f32 v10, v9;
	v5 =	vmul.f32 v7, v5  }
0x74: {  	v7 =	vld [tilespmem:s4+$0x8410]  }
0x75: {  	v10 =	vld [tilespmem:s4+$0xC410];
	v5 =	vadd.f32 v5, v9;
	v6 =	vmul.f32 v8, v6  }
0x76: {  	v8 =	vld [tilespmem:s4+$0x8420]  }
0x77: {  	v9 =	vld [tilespmem:s4+$0xC420];
	v5 =	vadd.f32 v6, v5  }
0x78: {  	v6 =	vmul.f32 v12, v11;
	v11 =	vld [tilespmem:s4+$0x8430];
	v12 =	vpop (erf)  }
0x79: {  	v13 =	vld [tilespmem:s4+$0xC430];
	v5 =	vmul.f32 v12, v5  }
0x7a: {  	vm0 =	vgt.f32 v0, $0.0e+00;
	v6 =	vadd.f32 $0.0e+00, v6;
	v7 =	vmul.f32 v10, v7;
	v0 =	vld [tilespmem:s4+$0xA400]  }
0x7b: {  	v12 =	vsel vm0, $0x3F800000, v1;
	v10 =	vld [tilespmem:s4+$0xC440];
	v5 =	vnsel vm0, $0x0, v5  }
0x7c: {  	v6 =	vadd.f32 v7, v6;
	v7 =	vmul.f32 v9, v8;
	v14 =	vld [tilespmem:s4+$0x8450];
	v3 =	vadd.f32 v5, v3  }
0x7d: {  	v2 =	vadd.f32 v12, v2;
	v15 =	vld [tilespmem:s4+$0xC450]  }
0x7e: {  	v6 =	vadd.f32 v7, v6;
	v8 =	vmul.f32 v13, v11;
	v5 =	vld [tilespmem:s4+$0x8460]  }
.Ltmp1:
0x7f: {  	v7 =	vld [tilespmem:s4+$0xC460];
	v9 =	vmax.f32 v0, $1.000000000e+00;
	(pc) =	sbr.rel @p0 .LBB2_3-.Ltmp1, $4  }
0x80: {  	v11 =	vadd.f32 v8, v6;
	v10 =	vmul.f32 v10, v4;
	v6 =	vld [tilespmem:s4+$0x8470];
	(erf) = vrcp.f32 v9  }
0x81: {  	v8 =	vld [tilespmem:s4+$0xC470];
	s4 =	sshra.s32 s5, $0x2  }
0x82: {  	v4 =	vld [tilespmem:s4+$0x8440];
	v9 =	vadd.f32 v10, v11;
	v10 =	vmul.f32 v15, v14  }
0x83: {  	s5 =	sadd.s32 $0x200, s5;
	v11 =	vld [tilespmem:s4+$0x8400]  }
0x84: {  	v12 =	vld [tilespmem:s4+$0xC400]  }
0x85: {  	v13 =	vld [tilespmem:s4+$0x8410]  }
0x86: {  	v14 =	vld [tilespmem:s4+$0xC410]  }
0x87: {  	v15 =	vld [tilespmem:s4+$0x8420]  }
0x88: {  	v16 =	vld [tilespmem:s4+$0xC420]  }
0x89: {  	v48 =	vld [tilespmem:s4+$0x8430];
	v11 =	vmul.f32 v12, v11  }
0x8a: {  	v17 =	vld [tilespmem:s4+$0xC430]  }
0x8b: {  	v49 =	vld [tilespmem:s4+$0xA400];
	v13 =	vmul.f32 v14, v13;
	v11 =	vadd.f32 $0.0e+00, v11  }
0x8c: {  	v18 =	vld [tilespmem:s4+$0xC440]  }
0x8d: {  	v51 =	vld [tilespmem:s4+$0x8450];
	v50 =	vmul.f32 v16, v15;
	v11 =	vadd.f32 v13, v11  }
0x8e: {  	v52 =	vld [tilespmem:s4+$0xC450]  }
0x8f: {  	v53 =	vld [tilespmem:s4+$0x8460];
	v12 =	vmul.f32 v17, v48;
	v11 =	vadd.f32 v50, v11  }
0x90: {  	v54 =	vld [tilespmem:s4+$0xC460];
	v19 =	vmax.f32 v49, $1.000000000e+00  }
0x91: {  	v55 =	vld [tilespmem:s4+$0x8470];
	v4 =	vmul.f32 v18, v4;
	(erf) = vrcp.f32 v19;
	v11 =	vadd.f32 v12, v11  }
0x92: {  	v9 =	vadd.f32 v10, v9;
	v5 =	vmul.f32 v7, v5;
	v56 =	vld [tilespmem:s4+$0xC470]  }
0x93: {  	v57 =	vmul.f32 v52, v51;
	v4 =	vadd.f32 v4, v11  }
0x94: {  	v5 =	vadd.f32 v5, v9  }
0x95: {  	v6 =	vmul.f32 v8, v6;
	v58 =	vmul.f32 v54, v53;
	v4 =	vadd.f32 v57, v4;
	_ =	sdelay $0x1  }
0x96: {  	v5 =	vadd.f32 v6, v5;
	v59 =	vmul.f32 v56, v55;
	v4 =	vadd.f32 v58, v4  }
0x97: {  	vm0 =	vgt.f32 v0, $0.0e+00;
	v60 =	vpop (erf)  }
0x98: {  	v62 =	vsel vm0, $0x3F800000, v1;
	v5 =	vmul.f32 v60, v5;
	v4 =	vadd.f32 v59, v4  }
0x99: {  	v2 =	vadd.f32 v62, v2;
	v61 =	vpop (erf)  }
0x9a: {  	vm15 =	vgt.f32 v49, $0.0e+00;
	v5 =	vnsel vm0, $0x0, v5;
	v0 =	vmul.f32 v61, v4  }
0x9b: {  	v63 =	vsel vm15, $0x3F800000, v1;
	v3 =	vadd.f32 v5, v3  }
0x9c: {  	v1 =	vadd.f32 v63, v2;
	v0 =	vnsel vm15, $0x0, v0  }
0x9d: {  	v0 =	vadd.f32 v0, v3  }
0x9e: {  	s31 =	sshll.u32 s3, $0x5;
	[tilespmem:$0xE480] =	vst v1  }
0x9f: {  	s4 =	simm.s32 $0x0;
	s6 =	simm.s32 $0xE400;
	s5 =	sadd.s32 s2, s31;
	[tilespmem:$0xE400] =	vst v0  }
0xa0: {  	[hbm4b:s5+s4] =	stream.linear.scatter [tilespmem:s6], [sflag:$0x1], $0x100, $0x38;
	[tilespmem:$0x11580] =	vst v63  }
0xa1: {  	s5 =	simm.s32 $0x1  }
0xa2: {  	_ =	swait.ge [sflag:s5], $0x100  }
0xa3: {  	[sflag:s5] =	ssyncset.done $0x0  }
0xa4: {  	[sflag:s5] =	ssyncadd.s32 $0xFFFFFF00  }
0xa5: {  	p0 =	sne.s32 s3, $0x0;
	[bflag:$0x0] =	sbarrier.arrive $0xFFFF  }
0xa6: {  	_ =	sfence.sel @p0 $0x180000  }
0xa7: {  	[bflag:$0x0] =	sbarrier.arrive @p0 $0xFFFF  }
0xa8: {  	_ =	strace @p0 $0x90000047  }
0xa9: {  	[bflag:$0x2] =	sbarrier.arrive @p0 $0xFFFF  }
0xaa: {  	_ =	shalt @p0  }
.LBB2_5:
0xab: {  	v0 =	vimm.f32 $1.600000000e+01  }
0xac: {  	(erf) = vrcp.f32 v0;
	_ =	sdelay $0x7  }
0xad: {  	s3 =	simm.s32 $0xE500  }
0xae: {  	[tilespmem:s3], [sflag:$0x1] =	stream.linear.gather [hbm4b:s2+s4], $0x1000, $0x38;
	v0 =	vpop (erf);
	[tilespmem:$0x11580] =	vst v63  }
0xaf: {  	_ =	swait.ge [sflag:s5], $0x1000  }
0xb0: {  	[sflag:s5] =	ssyncset.done $0x0  }
0xb1: {  	[sflag:s5] =	ssyncadd.s32 $0xFFFFF000  }
0xb2: {  	v1 =	vld [tilespmem:$0xE500]  }
0xb3: {  	v2 =	vld [tilespmem:$0xE580]  }
0xb4: {  	v3 =	vld [tilespmem:$0xE600]  }
0xb5: {  	v4 =	vld [tilespmem:$0xE680]  }
0xb6: {  	v5 =	vld [tilespmem:$0xE700]  }
0xb7: {  	v6 =	vld [tilespmem:$0xE780];
	v1 =	vadd.f32 $0.0e+00, v1  }
0xb8: {  	v7 =	vld [tilespmem:$0xE800];
	v2 =	vadd.f32 $0.0e+00, v2  }
0xb9: {  	v39 =	vld [tilespmem:$0xE880];
	v1 =	vadd.f32 v3, v1  }
0xba: {  	v40 =	vld [tilespmem:$0xE900];
	v2 =	vadd.f32 v4, v2  }
0xbb: {  	v41 =	vld [tilespmem:$0xE980];
	v1 =	vadd.f32 v5, v1  }
0xbc: {  	v42 =	vld [tilespmem:$0xEA00];
	v2 =	vadd.f32 v6, v2  }
0xbd: {  	v43 =	vld [tilespmem:$0xEA80];
	v1 =	vadd.f32 v7, v1  }
0xbe: {  	v44 =	vld [tilespmem:$0xEB00];
	v2 =	vadd.f32 v39, v2  }
0xbf: {  	v45 =	vld [tilespmem:$0xEB80];
	v1 =	vadd.f32 v40, v1  }
0xc0: {  	v46 =	vld [tilespmem:$0xEC00];
	v2 =	vadd.f32 v41, v2  }
0xc1: {  	v47 =	vld [tilespmem:$0xEC80];
	v1 =	vadd.f32 v42, v1  }
0xc2: {  	v48 =	vld [tilespmem:$0xED00];
	v2 =	vadd.f32 v43, v2  }
0xc3: {  	v49 =	vld [tilespmem:$0xED80];
	v1 =	vadd.f32 v44, v1  }
0xc4: {  	v50 =	vld [tilespmem:$0xEE00];
	v2 =	vadd.f32 v45, v2  }
0xc5: {  	v51 =	vld [tilespmem:$0xEE80];
	v1 =	vadd.f32 v46, v1  }
0xc6: {  	v52 =	vld [tilespmem:$0xEF00];
	v2 =	vadd.f32 v47, v2  }
0xc7: {  	v53 =	vld [tilespmem:$0xEF80];
	v1 =	vadd.f32 v48, v1  }
0xc8: {  	v54 =	vld [tilespmem:$0xF000];
	v2 =	vadd.f32 v49, v2  }
0xc9: {  	v55 =	vld [tilespmem:$0xF080];
	v1 =	vadd.f32 v50, v1  }
0xca: {  	v56 =	vld [tilespmem:$0xF100];
	v2 =	vadd.f32 v51, v2  }
0xcb: {  	v57 =	vld [tilespmem:$0xF180];
	v1 =	vadd.f32 v52, v1  }
0xcc: {  	v58 =	vld [tilespmem:$0xF200];
	v2 =	vadd.f32 v53, v2  }
0xcd: {  	v59 =	vld [tilespmem:$0xF280];
	v1 =	vadd.f32 v54, v1  }
0xce: {  	v60 =	vld [tilespmem:$0xF300];
	v2 =	vadd.f32 v55, v2  }
0xcf: {  	v61 =	vld [tilespmem:$0xF380];
	v1 =	vadd.f32 v56, v1  }
0xd0: {  	v62 =	vld [tilespmem:$0xF400];
	v2 =	vadd.f32 v57, v2  }
0xd1: {  	v63 =	vld [tilespmem:$0xF480];
	v1 =	vadd.f32 v58, v1  }
0xd2: {  	v2 =	vadd.f32 v59, v2  }
0xd3: {  	v1 =	vadd.f32 v60, v1  }
0xd4: {  	v2 =	vadd.f32 v61, v2  }
0xd5: {  	v1 =	vadd.f32 v62, v1  }
0xd6: {  	v2 =	vadd.f32 v63, v2  }
0xd7: {  	(v2sf) =	vpush v1, $0x0  }
0xd8: {  	(v2sf) =	vpush v2, $0x0  }
0xd9: {  	(v2sf) =	vpush v1, $0x1  }
0xda: {  	(v2sf) =	vpush v2, $0x1  }
0xdb: {  	(v2sf) =	vpush v1, $0x2  }
0xdc: {  	(v2sf) =	vpush v2, $0x2  }
0xdd: {  	(v2sf) =	vpush v1, $0x3  }
0xde: {  	(v2sf) =	vpush v2, $0x3  }
0xdf: {  	(v2sf) =	vpush v1, $0x4  }
0xe0: {  	(v2sf) =	vpush v2, $0x4  }
0xe1: {  	(v2sf) =	vpush v1, $0x5  }
0xe2: {  	(v2sf) =	vpush v2, $0x5  }
0xe3: {  	(v2sf) =	vpush v1, $0x6  }
0xe4: {  	(v2sf) =	vpush v2, $0x6  }
0xe5: {  	(v2sf) =	vpush v1, $0x7  }
0xe6: {  	s23 =	spop (v2sf);
	(v2sf) =	vpush v2, $0x7  }
0xe7: {  	s24 =	spop (v2sf);
	(v2sf) =	vpush v1, $0x8  }
0xe8: {  	s3 =	sadd.f32 $0.0e+00, s24;
	s6 =	spop (v2sf);
	(v2sf) =	vpush v2, $0x8  }
0xe9: {  	s7 =	spop (v2sf);
	(v2sf) =	vpush v1, $0x9  }
0xea: {  	s3 =	sadd.f32 s3, s7;
	s25 =	spop (v2sf);
	(v2sf) =	vpush v2, $0x9  }
0xeb: {  	s8 =	spop (v2sf);
	(v2sf) =	vpush v1, $0xA  }
0xec: {  	s3 =	sadd.f32 s3, s8;
	s26 =	spop (v2sf);
	(v2sf) =	vpush v2, $0xA  }
0xed: {  	s9 =	spop (v2sf);
	(v2sf) =	vpush v1, $0xB  }
0xee: {  	s3 =	sadd.f32 s3, s9;
	s28 =	spop (v2sf);
	(v2sf) =	vpush v2, $0xB  }
0xef: {  	s10 =	spop (v2sf);
	(v2sf) =	vpush v1, $0xC  }
0xf0: {  	s3 =	sadd.f32 s3, s10;
	s29 =	spop (v2sf);
	(v2sf) =	vpush v2, $0xC  }
0xf1: {  	s11 =	spop (v2sf);
	(v2sf) =	vpush v1, $0xD  }
0xf2: {  	s3 =	sadd.f32 s3, s11;
	s30 =	spop (v2sf);
	(v2sf) =	vpush v2, $0xD  }
0xf3: {  	s2 =	sadd.f32 $0.0e+00, s23;
	s12 =	spop (v2sf);
	(v2sf) =	vpush v1, $0xE  }
0xf4: {  	s3 =	sadd.f32 s3, s12;
	s31 =	spop (v2sf);
	(v2sf) =	vpush v2, $0xE  }
0xf5: {  	s2 =	sadd.f32 s2, s6;
	s13 =	spop (v2sf);
	(v2sf) =	vpush v1, $0xF  }
0xf6: {  	s3 =	sadd.f32 s3, s13;
	s14 =	spop (v2sf);
	(v2sf) =	vpush v2, $0xF  }
0xf7: {  	s2 =	sadd.f32 s2, s25;
	s15 =	spop (v2sf)  }
0xf8: {  	s3 =	sadd.f32 s3, s15;
	s16 =	spop (v2sf)  }
0xf9: {  	s2 =	sadd.f32 s2, s26;
	s17 =	spop (v2sf)  }
0xfa: {  	s3 =	sadd.f32 s3, s17;
	s18 =	spop (v2sf)  }
0xfb: {  	s2 =	sadd.f32 s2, s28;
	s19 =	spop (v2sf)  }
0xfc: {  	s3 =	sadd.f32 s3, s19;
	s20 =	spop (v2sf)  }
0xfd: {  	s2 =	sadd.f32 s2, s29;
	s21 =	spop (v2sf)  }
0xfe: {  	s3 =	sadd.f32 s3, s21;
	s22 =	spop (v2sf)  }
0xff: {  	s2 =	sadd.f32 s2, s30;
	s23 =	spop (v2sf)  }
0x100: {  	s3 =	sadd.f32 s3, s23;
	s24 =	spop (v2sf)  }
0x101: {  	s2 =	sadd.f32 s2, s31;
	s25 =	spop (v2sf)  }
0x102: {  	s3 =	sadd.f32 s3, s25;
	s26 =	spop (v2sf)  }
0x103: {  	s2 =	sadd.f32 s2, s14;
	s28 =	spop (v2sf)  }
0x104: {  	s3 =	sadd.f32 s3, s28;
	s29 =	spop (v2sf)  }
0x105: {  	s2 =	sadd.f32 s2, s16;
	s30 =	spop (v2sf)  }
0x106: {  	s3 =	sadd.f32 s3, s30;
	_ =	sdelay $0x1  }
0x107: {  	s2 =	sadd.f32 s2, s18;
	v0 =	vmul.f32 s3, v0;
	_ =	sdelay $0x1  }
0x108: {  	s2 =	sadd.f32 s2, s20;
	(erf) = vrcp.f32 v0;
	_ =	sdelay $0x1  }
0x109: {  	s2 =	sadd.f32 s2, s22;
	_ =	sdelay $0x1  }
0x10a: {  	s2 =	sadd.f32 s2, s24;
	_ =	sdelay $0x1  }
0x10b: {  	s2 =	sadd.f32 s2, s26;
	_ =	sdelay $0x1  }
0x10c: {  	s2 =	sadd.f32 s2, s29  }
0x10d: {  	v0 =	vpop (erf)  }
0x10e: {  	v0 =	vmul.f32 s2, v0;
	_ =	sdelay $0x1  }
0x10f: {  	s31 =	simm.s32 $0xF500;
	[tilespmem:$0xF500] =	vst v0  }
0x110: {  	[hbm4b:s1+s4] =	stream.linear.scatter [tilespmem:s31], [sflag:$0x1], $0x80, $0x38;
	[tilespmem:$0x11580] =	vst v63  }
0x111: {  	_ =	swait.ge [sflag:s5], $0x80  }
0x112: {  	[sflag:s5] =	ssyncset.done $0x0  }
0x113: {  	[sflag:s5] =	ssyncadd.s32 $0xFFFFFF80  }
0x114: {  	_ =	sfence.sel $0x180000  }
0x115: {  	[bflag:$0x0] =	sbarrier.arrive $0xFFFF  }
0x116: {  	_ =	strace $0x90000047  }
0x117: {  	s0 =	sadd.s32 $0x100000, s0;
	[bflag:$0x2] =	sbarrier.arrive $0xFFFF  }
0x118: {  	[sflag:s0] =	ssyncadd.tile.s32 $0x1;
	_ =	shalt  }
.Lfunc_end2:
_tile_overlayer_lowered:
.L_overlay_start_2:
0x119: {  	(tag) =	ssettag $0x2  }
0x11a: {  	s0 =	rddreg [dreg:$0x0];
	s2 =	stileid.u32  }
0x11b: {  	s1 =	rddreg [dreg:$0x1];
	p0 =	sne.s32 s2, $0x0  }
0x11c: {  	s3 =	rddreg [dreg:$0x2];
	[bflag:$0x3] =	sbarrier.arrive $0xFFFF;
	s2 =	simm.s32 @!p0 $0x1C01  }
0x11d: {  	[timem:s3], [sflag:s2] =	dma.local @!p0 [hbm:s0], s1  }
0x11e: {  	s0 =	simm.s32 @!p0 $0x1  }
0x11f: {  	_ =	swait.ge @!p0 [sflag:s0], s1  }
0x120: {  	s1 =	ssub.s32 @!p0 $0x0, s1;
	[sflag:s0] =	ssyncset.done @!p0 $0x0  }
0x121: {  	[sflag:s0] =	ssyncadd.s32 @!p0 s1  }
0x122: {  	[bflag:$0x3] =	sbarrier.arrive $0xFFFF  }
0x123: {  	_ =	shalt  }

</sc_bundles>
